<compile_context>
chip_gen: v7x
topology: tpu7x:2x2x1
jax: 0.10.2.dev20260603
libtpu: 0.0.44.dev20260713+nightly
codegen_flags: <defaults>
</compile_context>

<pallas_src>
import jax
import jax.numpy as jnp
from jax import lax
from jax.experimental import pallas as pl
from jax.experimental.pallas import tpu as pltpu
from jax.experimental.pallas import tpu_sc as plsc

CB = 1024
NQ = 8
NC, NS, L = 2, 16, 16
NW = NC * NS
H = NQ * CB
UNROLL = 16

CE_W = 1.0
COMMIT_W = 0.25
DIV_W = 0.1


def _sc_hist_body(idx_hbm, out_hbm, chunk_v, hist_v, sem0, sem1):
    chunk = chunk_v.shape[0]
    half = chunk // 2
    wid = lax.axis_index("s") * NC + lax.axis_index("c")
    base = wid * chunk
    dma0 = pltpu.async_copy(
        idx_hbm.at[pl.ds(base, half)], chunk_v.at[pl.ds(0, half)], sem0)
    dma1 = pltpu.async_copy(
        idx_hbm.at[pl.ds(base + half, half)], chunk_v.at[pl.ds(half, half)],
        sem1)

    zeros = jnp.zeros((L,), jnp.float32)

    def zbody(i, c):
        for u in range(UNROLL):
            hist_v[pl.ds((i * UNROLL + u) * L, L)] = zeros
        return c

    lax.fori_loop(0, H // (L * UNROLL), zbody, 0)

    ones = jnp.ones((L,), jnp.float32)

    def body(i, c):
        toks = [chunk_v[pl.ds((i * UNROLL + u) * L, L)] for u in range(UNROLL)]
        bins = []
        for u in range(UNROLL):
            q = ((i * UNROLL + u) >> 3) & (NQ - 1)
            bins.append(toks[u] + jnp.broadcast_to(q * CB, (L,)).astype(jnp.int32))
        for u in range(UNROLL):
            plsc.addupdate_scatter(hist_v, [bins[u]], ones)
        return c

    n_half = half // (L * UNROLL)
    dma0.wait()
    lax.fori_loop(0, n_half, body, 0)
    dma1.wait()
    lax.fori_loop(n_half, 2 * n_half, body, 0)

    pltpu.sync_copy(hist_v, out_hbm.at[pl.ds(wid * H, H)])


def _entropy_body(lm_ref, co_ref, parts_ref, ce_ref, com_ref, div_ref, tot_ref):
    acc = parts_ref[0:64, :]
    for p in range(1, NW):
        acc = acc + parts_ref[p * 64:(p + 1) * 64, :]
    s = jnp.float32(0.0)
    for q in range(NQ):
        blk = acc[q * 8:(q + 1) * 8, :]
        prob = blk / jnp.sum(blk)
        s = s + jnp.sum(prob * jnp.log(prob + 1e-8))
    ce = lm_ref[0, 0] * CE_W
    co = co_ref[0, 0] * COMMIT_W
    div = (s / NQ) * DIV_W
    ce_ref[0, 0] = ce
    com_ref[0, 0] = co
    div_ref[0, 0] = div
    tot_ref[0, 0] = ce + co + div


def kernel(lm_loss, rvq_commitment_loss, rvq_indices):
    b, sl, nq = rvq_indices.shape
    n_total = b * sl * nq
    chunk = n_total // NW
    flat = (
        rvq_indices.reshape(b, sl // 128, 128, nq)
        .transpose(0, 1, 3, 2)
        .reshape(n_total)
    )

    hist_fn = pl.kernel(
        _sc_hist_body,
        mesh=plsc.VectorSubcoreMesh(core_axis_name="c", subcore_axis_name="s"),
        out_type=jax.ShapeDtypeStruct((NW * H,), jnp.float32),
        scratch_types=[
            pltpu.VMEM((chunk,), jnp.int32),
            pltpu.VMEM((H,), jnp.float32),
            pltpu.SemaphoreType.DMA,
            pltpu.SemaphoreType.DMA,
        ],
        compiler_params=pltpu.CompilerParams(needs_layout_passes=False),
    )
    partials = hist_fn(flat)

    parts2 = partials.reshape(NW * 64, 128)
    lm = jnp.asarray(lm_loss, jnp.float32).reshape(1, 1)
    co = jnp.asarray(rvq_commitment_loss, jnp.float32).reshape(1, 1)

    scalar = jax.ShapeDtypeStruct((1, 1), jnp.float32)
    ce, com, div, tot = pl.pallas_call(
        _entropy_body,
        out_shape=[scalar, scalar, scalar, scalar],
        in_specs=[
            pl.BlockSpec(memory_space=pltpu.SMEM),
            pl.BlockSpec(memory_space=pltpu.SMEM),
            pl.BlockSpec(memory_space=pltpu.VMEM),
        ],
        out_specs=[pl.BlockSpec(memory_space=pltpu.SMEM)] * 4,
    )(lm, co, parts2)

    return (
        ce.reshape(()),
        com.reshape(()),
        div.reshape(()),
        tot.reshape(()),
    )

# --- scband reference (transcript-rebuilt; emitter-appended) ---
"""Pipeline reference for scband-musi-co-tloss-13477607375111 (READ-ONLY COPY).

The authoritative reference and input builder live on the scoring server;
editing this copy changes nothing except your own understanding.
"""

import jax, jax.numpy as jnp
import numpy as np

CE_WEIGHT = 1.0
COMMITMENT_WEIGHT = 0.25
DIVERSITY_WEIGHT = 0.1
CODEBOOK_SIZE = 1024


def setup_inputs(seed: int = 0) -> dict:
    key = jax.random.key(seed)
    k1, k2, k3 = jax.random.split(key, 3)
    lm_loss = jax.random.uniform(k1, ()) * 5.0
    rvq_commitment_loss = jax.random.uniform(k2, ())
    rvq_indices = jax.random.randint(k3, (16, 8192, 8), 0, CODEBOOK_SIZE, dtype=jnp.int32)
    return {
        'lm_loss': lm_loss,
        'rvq_commitment_loss': rvq_commitment_loss,
        'rvq_indices': rvq_indices,
    }


def _compute_diversity_loss(rvq_indices):
    # Encourage diverse usage of codebook tokens.
    # torch.unique(return_counts=True) -> probs over observed tokens.
    # Equivalent via full-length bincount: zero-count bins contribute
    # 0 * log(0 + 1e-8) == 0 to the entropy sum.
    batch_size, seq_len, num_quantizers = rvq_indices.shape
    diversity_losses = []
    for q in range(num_quantizers):
        tokens = rvq_indices[:, :, q].reshape(-1)
        counts = jnp.bincount(tokens, length=CODEBOOK_SIZE).astype(jnp.float32)
        probs = counts / counts.sum()
        entropy = -(probs * jnp.log(probs + 1e-08)).sum()
        diversity_losses.append(-entropy)
    return jnp.stack(diversity_losses).mean()


def reference(lm_loss, rvq_commitment_loss, rvq_indices):
    ce_loss = lm_loss * CE_WEIGHT
    commitment_loss = rvq_commitment_loss * COMMITMENT_WEIGHT
    diversity_loss = _compute_diversity_loss(rvq_indices) * DIVERSITY_WEIGHT
    total_loss = ce_loss + commitment_loss + diversity_loss
    return (ce_loss, commitment_loss, diversity_loss, total_loss)

if __name__ == "__main__":
    import jax
    _d = setup_inputs()
    print(jax.jit(kernel)(*tuple(_d.values())))

</pallas_src>

<mosaic_0001>
#map = affine_map<(d0, d1) -> (0)>
module attributes {stable_mosaic.version = 14 : i64} {
  func.func @_sc_hist_body(%arg0: i32, %arg1: i32, %arg2: memref<1048576xi32, #tpu.memory_space<hbm>>, %arg3: memref<262144xf32, #tpu.memory_space<hbm>>, %arg4: memref<32768xi32, #tpu.memory_space<vmem>>, %arg5: memref<8192xf32, #tpu.memory_space<vmem>>, %arg6: memref<!tpu.dma_semaphore, #tpu.memory_space<semaphore_mem>>, %arg7: memref<!tpu.dma_semaphore, #tpu.memory_space<semaphore_mem>>) attributes {dimension_semantics = [#tpu.dimension_semantics<core_parallel>, #tpu.dimension_semantics<subcore_parallel>], iteration_bounds = array<i64: 2, 16>, scalar_prefetch = 0 : i64, scratch_operands = 4 : i64, tpu.core_type = #tpu.core_type<sc_vector_subcore>, window_params = [{transform_indices = #map}, {transform_indices = #map}]} {
    %mul3A = arith.constant 2 : i32
    %mul3A_0 = arith.muli %arg1, %mul3A : i32
    %add3A = arith.addi %mul3A_0, %arg0 : i32
    %mul3A_1 = arith.constant 32768 : i32
    %mul3A_2 = arith.muli %add3A, %mul3A_1 : i32
    %dma_start3A = arith.constant 0 : i32
    %dma_start3A_3 = tpu.memref_slice %arg4[%dma_start3A] : memref<32768xi32, #tpu.memory_space<vmem>> -> memref<16384xi32, #tpu.memory_space<vmem>>
    %dma_start3A_4 = tpu.memref_slice %arg2[%mul3A_2] : memref<1048576xi32, #tpu.memory_space<hbm>> -> memref<16384xi32, #tpu.memory_space<hbm>>
    %dma_start3A_5 = arith.constant 0 : i32
    %dma_start3A_6 = tpu.memref_slice %arg4[%dma_start3A_5] : memref<32768xi32, #tpu.memory_space<vmem>> -> memref<16384xi32, #tpu.memory_space<vmem>>
    %dma_start3A_7 = tpu.memref_slice %arg2[%mul3A_2] : memref<1048576xi32, #tpu.memory_space<hbm>> -> memref<16384xi32, #tpu.memory_space<hbm>>
    tpu.enqueue_dma source(%dma_start3A_7 : memref<16384xi32, #tpu.memory_space<hbm>>) target(%dma_start3A_6 : memref<16384xi32, #tpu.memory_space<vmem>>) target_semaphore(%arg6 : memref<!tpu.dma_semaphore, #tpu.memory_space<semaphore_mem>>)
    %add3A_8 = arith.constant 16384 : i32
    %add3A_9 = arith.addi %mul3A_2, %add3A_8 : i32
    %dma_start3A_10 = arith.constant 16384 : i32
    %dma_start3A_11 = tpu.memref_slice %arg4[%dma_start3A_10] : memref<32768xi32, #tpu.memory_space<vmem>> -> memref<16384xi32, #tpu.memory_space<vmem>>
    %dma_start3A_12 = tpu.memref_slice %arg2[%add3A_9] : memref<1048576xi32, #tpu.memory_space<hbm>> -> memref<16384xi32, #tpu.memory_space<hbm>>
    %dma_start3A_13 = arith.constant 16384 : i32
    %dma_start3A_14 = tpu.memref_slice %arg4[%dma_start3A_13] : memref<32768xi32, #tpu.memory_space<vmem>> -> memref<16384xi32, #tpu.memory_space<vmem>>
    %dma_start3A_15 = tpu.memref_slice %arg2[%add3A_9] : memref<1048576xi32, #tpu.memory_space<hbm>> -> memref<16384xi32, #tpu.memory_space<hbm>>
    tpu.enqueue_dma source(%dma_start3A_15 : memref<16384xi32, #tpu.memory_space<hbm>>) target(%dma_start3A_14 : memref<16384xi32, #tpu.memory_space<vmem>>) target_semaphore(%arg7 : memref<!tpu.dma_semaphore, #tpu.memory_space<semaphore_mem>>)
    %broadcast_in_dim3A = arith.constant 0.000000e+00 : f32
    %broadcast_in_dim3A_16 = vector.broadcast %broadcast_in_dim3A : f32 to vector<16xf32>
    %scan3A = arith.constant 0 : i32
    %scan3A_17 = arith.constant 0 : i32
    %scan3A_18 = arith.constant 32 : i32
    %scan3A_19 = arith.addi %scan3A_17, %scan3A_18 : i32
    %scan3A_20 = arith.constant 1 : i32
    scf.for %scan3A_49 = %scan3A_17 to %scan3A_19 step %scan3A_20  : i32 {
      %mul3A_50 = arith.constant 16 : i32
      %mul3A_51 = arith.muli %scan3A_49, %mul3A_50 : i32
      %add3A_52 = arith.constant 0 : i32
      %add3A_53 = arith.addi %mul3A_51, %add3A_52 : i32
      %mul3A_54 = arith.constant 16 : i32
      %mul3A_55 = arith.muli %add3A_53, %mul3A_54 : i32
      %swap3A = arith.index_cast %mul3A_55 : i32 to index
      %swap3A_56 = tpu.vector_load %arg5[%swap3A] {strides = array<i32>} : memref<8192xf32, #tpu.memory_space<vmem>>, vector<16xf32>,
      tpu.vector_store %arg5[%swap3A], %broadcast_in_dim3A_16 {strides = array<i32>} : memref<8192xf32, #tpu.memory_space<vmem>>, vector<16xf32>,
      %mul3A_57 = arith.constant 16 : i32
      %mul3A_58 = arith.muli %scan3A_49, %mul3A_57 : i32
      %add3A_59 = arith.constant 1 : i32
      %add3A_60 = arith.addi %mul3A_58, %add3A_59 : i32
      %mul3A_61 = arith.constant 16 : i32
      %mul3A_62 = arith.muli %add3A_60, %mul3A_61 : i32
      %swap3A_63 = arith.index_cast %mul3A_62 : i32 to index
      %swap3A_64 = tpu.vector_load %arg5[%swap3A_63] {strides = array<i32>} : memref<8192xf32, #tpu.memory_space<vmem>>, vector<16xf32>,
      tpu.vector_store %arg5[%swap3A_63], %broadcast_in_dim3A_16 {strides = array<i32>} : memref<8192xf32, #tpu.memory_space<vmem>>, vector<16xf32>,
      %mul3A_65 = arith.constant 16 : i32
      %mul3A_66 = arith.muli %scan3A_49, %mul3A_65 : i32
      %add3A_67 = arith.constant 2 : i32
      %add3A_68 = arith.addi %mul3A_66, %add3A_67 : i32
      %mul3A_69 = arith.constant 16 : i32
      %mul3A_70 = arith.muli %add3A_68, %mul3A_69 : i32
      %swap3A_71 = arith.index_cast %mul3A_70 : i32 to index
      %swap3A_72 = tpu.vector_load %arg5[%swap3A_71] {strides = array<i32>} : memref<8192xf32, #tpu.memory_space<vmem>>, vector<16xf32>,
      tpu.vector_store %arg5[%swap3A_71], %broadcast_in_dim3A_16 {strides = array<i32>} : memref<8192xf32, #tpu.memory_space<vmem>>, vector<16xf32>,
      %mul3A_73 = arith.constant 16 : i32
      %mul3A_74 = arith.muli %scan3A_49, %mul3A_73 : i32
      %add3A_75 = arith.constant 3 : i32
      %add3A_76 = arith.addi %mul3A_74, %add3A_75 : i32
      %mul3A_77 = arith.constant 16 : i32
      %mul3A_78 = arith.muli %add3A_76, %mul3A_77 : i32
      %swap3A_79 = arith.index_cast %mul3A_78 : i32 to index
      %swap3A_80 = tpu.vector_load %arg5[%swap3A_79] {strides = array<i32>} : memref<8192xf32, #tpu.memory_space<vmem>>, vector<16xf32>,
      tpu.vector_store %arg5[%swap3A_79], %broadcast_in_dim3A_16 {strides = array<i32>} : memref<8192xf32, #tpu.memory_space<vmem>>, vector<16xf32>,
      %mul3A_81 = arith.constant 16 : i32
      %mul3A_82 = arith.muli %scan3A_49, %mul3A_81 : i32
      %add3A_83 = arith.constant 4 : i32
      %add3A_84 = arith.addi %mul3A_82, %add3A_83 : i32
      %mul3A_85 = arith.constant 16 : i32
      %mul3A_86 = arith.muli %add3A_84, %mul3A_85 : i32
      %swap3A_87 = arith.index_cast %mul3A_86 : i32 to index
      %swap3A_88 = tpu.vector_load %arg5[%swap3A_87] {strides = array<i32>} : memref<8192xf32, #tpu.memory_space<vmem>>, vector<16xf32>,
      tpu.vector_store %arg5[%swap3A_87], %broadcast_in_dim3A_16 {strides = array<i32>} : memref<8192xf32, #tpu.memory_space<vmem>>, vector<16xf32>,
      %mul3A_89 = arith.constant 16 : i32
      %mul3A_90 = arith.muli %scan3A_49, %mul3A_89 : i32
      %add3A_91 = arith.constant 5 : i32
      %add3A_92 = arith.addi %mul3A_90, %add3A_91 : i32
      %mul3A_93 = arith.constant 16 : i32
      %mul3A_94 = arith.muli %add3A_92, %mul3A_93 : i32
      %swap3A_95 = arith.index_cast %mul3A_94 : i32 to index
      %swap3A_96 = tpu.vector_load %arg5[%swap3A_95] {strides = array<i32>} : memref<8192xf32, #tpu.memory_space<vmem>>, vector<16xf32>,
      tpu.vector_store %arg5[%swap3A_95], %broadcast_in_dim3A_16 {strides = array<i32>} : memref<8192xf32, #tpu.memory_space<vmem>>, vector<16xf32>,
      %mul3A_97 = arith.constant 16 : i32
      %mul3A_98 = arith.muli %scan3A_49, %mul3A_97 : i32
      %add3A_99 = arith.constant 6 : i32
      %add3A_100 = arith.addi %mul3A_98, %add3A_99 : i32
      %mul3A_101 = arith.constant 16 : i32
      %mul3A_102 = arith.muli %add3A_100, %mul3A_101 : i32
      %swap3A_103 = arith.index_cast %mul3A_102 : i32 to index
      %swap3A_104 = tpu.vector_load %arg5[%swap3A_103] {strides = array<i32>} : memref<8192xf32, #tpu.memory_space<vmem>>, vector<16xf32>,
      tpu.vector_store %arg5[%swap3A_103], %broadcast_in_dim3A_16 {strides = array<i32>} : memref<8192xf32, #tpu.memory_space<vmem>>, vector<16xf32>,
      %mul3A_105 = arith.constant 16 : i32
      %mul3A_106 = arith.muli %scan3A_49, %mul3A_105 : i32
      %add3A_107 = arith.constant 7 : i32
      %add3A_108 = arith.addi %mul3A_106, %add3A_107 : i32
      %mul3A_109 = arith.constant 16 : i32
      %mul3A_110 = arith.muli %add3A_108, %mul3A_109 : i32
      %swap3A_111 = arith.index_cast %mul3A_110 : i32 to index
      %swap3A_112 = tpu.vector_load %arg5[%swap3A_111] {strides = array<i32>} : memref<8192xf32, #tpu.memory_space<vmem>>, vector<16xf32>,
      tpu.vector_store %arg5[%swap3A_111], %broadcast_in_dim3A_16 {strides = array<i32>} : memref<8192xf32, #tpu.memory_space<vmem>>, vector<16xf32>,
      %mul3A_113 = arith.constant 16 : i32
      %mul3A_114 = arith.muli %scan3A_49, %mul3A_113 : i32
      %add3A_115 = arith.constant 8 : i32
      %add3A_116 = arith.addi %mul3A_114, %add3A_115 : i32
      %mul3A_117 = arith.constant 16 : i32
      %mul3A_118 = arith.muli %add3A_116, %mul3A_117 : i32
      %swap3A_119 = arith.index_cast %mul3A_118 : i32 to index
      %swap3A_120 = tpu.vector_load %arg5[%swap3A_119] {strides = array<i32>} : memref<8192xf32, #tpu.memory_space<vmem>>, vector<16xf32>,
      tpu.vector_store %arg5[%swap3A_119], %broadcast_in_dim3A_16 {strides = array<i32>} : memref<8192xf32, #tpu.memory_space<vmem>>, vector<16xf32>,
      %mul3A_121 = arith.constant 16 : i32
      %mul3A_122 = arith.muli %scan3A_49, %mul3A_121 : i32
      %add3A_123 = arith.constant 9 : i32
      %add3A_124 = arith.addi %mul3A_122, %add3A_123 : i32
      %mul3A_125 = arith.constant 16 : i32
      %mul3A_126 = arith.muli %add3A_124, %mul3A_125 : i32
      %swap3A_127 = arith.index_cast %mul3A_126 : i32 to index
      %swap3A_128 = tpu.vector_load %arg5[%swap3A_127] {strides = array<i32>} : memref<8192xf32, #tpu.memory_space<vmem>>, vector<16xf32>,
      tpu.vector_store %arg5[%swap3A_127], %broadcast_in_dim3A_16 {strides = array<i32>} : memref<8192xf32, #tpu.memory_space<vmem>>, vector<16xf32>,
      %mul3A_129 = arith.constant 16 : i32
      %mul3A_130 = arith.muli %scan3A_49, %mul3A_129 : i32
      %add3A_131 = arith.constant 10 : i32
      %add3A_132 = arith.addi %mul3A_130, %add3A_131 : i32
      %mul3A_133 = arith.constant 16 : i32
      %mul3A_134 = arith.muli %add3A_132, %mul3A_133 : i32
      %swap3A_135 = arith.index_cast %mul3A_134 : i32 to index
      %swap3A_136 = tpu.vector_load %arg5[%swap3A_135] {strides = array<i32>} : memref<8192xf32, #tpu.memory_space<vmem>>, vector<16xf32>,
      tpu.vector_store %arg5[%swap3A_135], %broadcast_in_dim3A_16 {strides = array<i32>} : memref<8192xf32, #tpu.memory_space<vmem>>, vector<16xf32>,
      %mul3A_137 = arith.constant 16 : i32
      %mul3A_138 = arith.muli %scan3A_49, %mul3A_137 : i32
      %add3A_139 = arith.constant 11 : i32
      %add3A_140 = arith.addi %mul3A_138, %add3A_139 : i32
      %mul3A_141 = arith.constant 16 : i32
      %mul3A_142 = arith.muli %add3A_140, %mul3A_141 : i32
      %swap3A_143 = arith.index_cast %mul3A_142 : i32 to index
      %swap3A_144 = tpu.vector_load %arg5[%swap3A_143] {strides = array<i32>} : memref<8192xf32, #tpu.memory_space<vmem>>, vector<16xf32>,
      tpu.vector_store %arg5[%swap3A_143], %broadcast_in_dim3A_16 {strides = array<i32>} : memref<8192xf32, #tpu.memory_space<vmem>>, vector<16xf32>,
      %mul3A_145 = arith.constant 16 : i32
      %mul3A_146 = arith.muli %scan3A_49, %mul3A_145 : i32
      %add3A_147 = arith.constant 12 : i32
      %add3A_148 = arith.addi %mul3A_146, %add3A_147 : i32
      %mul3A_149 = arith.constant 16 : i32
      %mul3A_150 = arith.muli %add3A_148, %mul3A_149 : i32
      %swap3A_151 = arith.index_cast %mul3A_150 : i32 to index
      %swap3A_152 = tpu.vector_load %arg5[%swap3A_151] {strides = array<i32>} : memref<8192xf32, #tpu.memory_space<vmem>>, vector<16xf32>,
      tpu.vector_store %arg5[%swap3A_151], %broadcast_in_dim3A_16 {strides = array<i32>} : memref<8192xf32, #tpu.memory_space<vmem>>, vector<16xf32>,
      %mul3A_153 = arith.constant 16 : i32
      %mul3A_154 = arith.muli %scan3A_49, %mul3A_153 : i32
      %add3A_155 = arith.constant 13 : i32
      %add3A_156 = arith.addi %mul3A_154, %add3A_155 : i32
      %mul3A_157 = arith.constant 16 : i32
      %mul3A_158 = arith.muli %add3A_156, %mul3A_157 : i32
      %swap3A_159 = arith.index_cast %mul3A_158 : i32 to index
      %swap3A_160 = tpu.vector_load %arg5[%swap3A_159] {strides = array<i32>} : memref<8192xf32, #tpu.memory_space<vmem>>, vector<16xf32>,
      tpu.vector_store %arg5[%swap3A_159], %broadcast_in_dim3A_16 {strides = array<i32>} : memref<8192xf32, #tpu.memory_space<vmem>>, vector<16xf32>,
      %mul3A_161 = arith.constant 16 : i32
      %mul3A_162 = arith.muli %scan3A_49, %mul3A_161 : i32
      %add3A_163 = arith.constant 14 : i32
      %add3A_164 = arith.addi %mul3A_162, %add3A_163 : i32
      %mul3A_165 = arith.constant 16 : i32
      %mul3A_166 = arith.muli %add3A_164, %mul3A_165 : i32
      %swap3A_167 = arith.index_cast %mul3A_166 : i32 to index
      %swap3A_168 = tpu.vector_load %arg5[%swap3A_167] {strides = array<i32>} : memref<8192xf32, #tpu.memory_space<vmem>>, vector<16xf32>,
      tpu.vector_store %arg5[%swap3A_167], %broadcast_in_dim3A_16 {strides = array<i32>} : memref<8192xf32, #tpu.memory_space<vmem>>, vector<16xf32>,
      %mul3A_169 = arith.constant 16 : i32
      %mul3A_170 = arith.muli %scan3A_49, %mul3A_169 : i32
      %add3A_171 = arith.constant 15 : i32
      %add3A_172 = arith.addi %mul3A_170, %add3A_171 : i32
      %mul3A_173 = arith.constant 16 : i32
      %mul3A_174 = arith.muli %add3A_172, %mul3A_173 : i32
      %swap3A_175 = arith.index_cast %mul3A_174 : i32 to index
      %swap3A_176 = tpu.vector_load %arg5[%swap3A_175] {strides = array<i32>} : memref<8192xf32, #tpu.memory_space<vmem>>, vector<16xf32>,
      tpu.vector_store %arg5[%swap3A_175], %broadcast_in_dim3A_16 {strides = array<i32>} : memref<8192xf32, #tpu.memory_space<vmem>>, vector<16xf32>,
    }
    %scan3A_21 = arith.constant 32 : i32
    %broadcast_in_dim3A_22 = arith.constant 1.000000e+00 : f32
    %broadcast_in_dim3A_23 = vector.broadcast %broadcast_in_dim3A_22 : f32 to vector<16xf32>
    %dma_wait3A = arith.constant 0 : i32
    %dma_wait3A_24 = tpu.memref_slice %arg4[%dma_wait3A] : memref<32768xi32, #tpu.memory_space<vmem>> -> memref<16384xi32, #tpu.memory_space<vmem>>
    %dma_wait3A_25 = tpu.memref_slice %arg2[%mul3A_2] : memref<1048576xi32, #tpu.memory_space<hbm>> -> memref<16384xi32, #tpu.memory_space<hbm>>
    %dma_wait3A_26 = arith.constant 0 : i32
    %dma_wait3A_27 = tpu.memref_slice %arg4[%dma_wait3A_26] : memref<32768xi32, #tpu.memory_space<vmem>> -> memref<16384xi32, #tpu.memory_space<vmem>>
    %dma_wait3A_28 = tpu.memref_slice %arg2[%mul3A_2] : memref<1048576xi32, #tpu.memory_space<hbm>> -> memref<16384xi32, #tpu.memory_space<hbm>>
    tpu.wait_dma2 semaphore(%arg6 : memref<!tpu.dma_semaphore, #tpu.memory_space<semaphore_mem>>) src(%dma_wait3A_28 : memref<16384xi32, #tpu.memory_space<hbm>>) dst(%dma_wait3A_27 : memref<16384xi32, #tpu.memory_space<vmem>>)
    %scan3A_29 = arith.constant 0 : i32
    %scan3A_30 = arith.constant 0 : i32
    %scan3A_31 = arith.constant 64 : i32
    %scan3A_32 = arith.addi %scan3A_30, %scan3A_31 : i32
    %scan3A_33 = arith.constant 1 : i32
    scf.for %scan3A_49 = %scan3A_30 to %scan3A_32 step %scan3A_33  : i32 {
      %mul3A_50 = arith.constant 16 : i32
      %mul3A_51 = arith.muli %scan3A_49, %mul3A_50 : i32
      %add3A_52 = arith.constant 0 : i32
      %add3A_53 = arith.addi %mul3A_51, %add3A_52 : i32
      %mul3A_54 = arith.constant 16 : i32
      %mul3A_55 = arith.muli %add3A_53, %mul3A_54 : i32
      %get3A = arith.index_cast %mul3A_55 : i32 to index
      %get3A_56 = tpu.vector_load %arg4[%get3A] {strides = array<i32>} : memref<32768xi32, #tpu.memory_space<vmem>>, vector<16xi32>,
      %mul3A_57 = arith.constant 16 : i32
      %mul3A_58 = arith.muli %scan3A_49, %mul3A_57 : i32
      %add3A_59 = arith.constant 1 : i32
      %add3A_60 = arith.addi %mul3A_58, %add3A_59 : i32
      %mul3A_61 = arith.constant 16 : i32
      %mul3A_62 = arith.muli %add3A_60, %mul3A_61 : i32
      %get3A_63 = arith.index_cast %mul3A_62 : i32 to index
      %get3A_64 = tpu.vector_load %arg4[%get3A_63] {strides = array<i32>} : memref<32768xi32, #tpu.memory_space<vmem>>, vector<16xi32>,
      %mul3A_65 = arith.constant 16 : i32
      %mul3A_66 = arith.muli %scan3A_49, %mul3A_65 : i32
      %add3A_67 = arith.constant 2 : i32
      %add3A_68 = arith.addi %mul3A_66, %add3A_67 : i32
      %mul3A_69 = arith.constant 16 : i32
      %mul3A_70 = arith.muli %add3A_68, %mul3A_69 : i32
      %get3A_71 = arith.index_cast %mul3A_70 : i32 to index
      %get3A_72 = tpu.vector_load %arg4[%get3A_71] {strides = array<i32>} : memref<32768xi32, #tpu.memory_space<vmem>>, vector<16xi32>,
      %mul3A_73 = arith.constant 16 : i32
      %mul3A_74 = arith.muli %scan3A_49, %mul3A_73 : i32
      %add3A_75 = arith.constant 3 : i32
      %add3A_76 = arith.addi %mul3A_74, %add3A_75 : i32
      %mul3A_77 = arith.constant 16 : i32
      %mul3A_78 = arith.muli %add3A_76, %mul3A_77 : i32
      %get3A_79 = arith.index_cast %mul3A_78 : i32 to index
      %get3A_80 = tpu.vector_load %arg4[%get3A_79] {strides = array<i32>} : memref<32768xi32, #tpu.memory_space<vmem>>, vector<16xi32>,
      %mul3A_81 = arith.constant 16 : i32
      %mul3A_82 = arith.muli %scan3A_49, %mul3A_81 : i32
      %add3A_83 = arith.constant 4 : i32
      %add3A_84 = arith.addi %mul3A_82, %add3A_83 : i32
      %mul3A_85 = arith.constant 16 : i32
      %mul3A_86 = arith.muli %add3A_84, %mul3A_85 : i32
      %get3A_87 = arith.index_cast %mul3A_86 : i32 to index
      %get3A_88 = tpu.vector_load %arg4[%get3A_87] {strides = array<i32>} : memref<32768xi32, #tpu.memory_space<vmem>>, vector<16xi32>,
      %mul3A_89 = arith.constant 16 : i32
      %mul3A_90 = arith.muli %scan3A_49, %mul3A_89 : i32
      %add3A_91 = arith.constant 5 : i32
      %add3A_92 = arith.addi %mul3A_90, %add3A_91 : i32
      %mul3A_93 = arith.constant 16 : i32
      %mul3A_94 = arith.muli %add3A_92, %mul3A_93 : i32
      %get3A_95 = arith.index_cast %mul3A_94 : i32 to index
      %get3A_96 = tpu.vector_load %arg4[%get3A_95] {strides = array<i32>} : memref<32768xi32, #tpu.memory_space<vmem>>, vector<16xi32>,
      %mul3A_97 = arith.constant 16 : i32
      %mul3A_98 = arith.muli %scan3A_49, %mul3A_97 : i32
      %add3A_99 = arith.constant 6 : i32
      %add3A_100 = arith.addi %mul3A_98, %add3A_99 : i32
      %mul3A_101 = arith.constant 16 : i32
      %mul3A_102 = arith.muli %add3A_100, %mul3A_101 : i32
      %get3A_103 = arith.index_cast %mul3A_102 : i32 to index
      %get3A_104 = tpu.vector_load %arg4[%get3A_103] {strides = array<i32>} : memref<32768xi32, #tpu.memory_space<vmem>>, vector<16xi32>,
      %mul3A_105 = arith.constant 16 : i32
      %mul3A_106 = arith.muli %scan3A_49, %mul3A_105 : i32
      %add3A_107 = arith.constant 7 : i32
      %add3A_108 = arith.addi %mul3A_106, %add3A_107 : i32
      %mul3A_109 = arith.constant 16 : i32
      %mul3A_110 = arith.muli %add3A_108, %mul3A_109 : i32
      %get3A_111 = arith.index_cast %mul3A_110 : i32 to index
      %get3A_112 = tpu.vector_load %arg4[%get3A_111] {strides = array<i32>} : memref<32768xi32, #tpu.memory_space<vmem>>, vector<16xi32>,
      %mul3A_113 = arith.constant 16 : i32
      %mul3A_114 = arith.muli %scan3A_49, %mul3A_113 : i32
      %add3A_115 = arith.constant 8 : i32
      %add3A_116 = arith.addi %mul3A_114, %add3A_115 : i32
      %mul3A_117 = arith.constant 16 : i32
      %mul3A_118 = arith.muli %add3A_116, %mul3A_117 : i32
      %get3A_119 = arith.index_cast %mul3A_118 : i32 to index
      %get3A_120 = tpu.vector_load %arg4[%get3A_119] {strides = array<i32>} : memref<32768xi32, #tpu.memory_space<vmem>>, vector<16xi32>,
      %mul3A_121 = arith.constant 16 : i32
      %mul3A_122 = arith.muli %scan3A_49, %mul3A_121 : i32
      %add3A_123 = arith.constant 9 : i32
      %add3A_124 = arith.addi %mul3A_122, %add3A_123 : i32
      %mul3A_125 = arith.constant 16 : i32
      %mul3A_126 = arith.muli %add3A_124, %mul3A_125 : i32
      %get3A_127 = arith.index_cast %mul3A_126 : i32 to index
      %get3A_128 = tpu.vector_load %arg4[%get3A_127] {strides = array<i32>} : memref<32768xi32, #tpu.memory_space<vmem>>, vector<16xi32>,
      %mul3A_129 = arith.constant 16 : i32
      %mul3A_130 = arith.muli %scan3A_49, %mul3A_129 : i32
      %add3A_131 = arith.constant 10 : i32
      %add3A_132 = arith.addi %mul3A_130, %add3A_131 : i32
      %mul3A_133 = arith.constant 16 : i32
      %mul3A_134 = arith.muli %add3A_132, %mul3A_133 : i32
      %get3A_135 = arith.index_cast %mul3A_134 : i32 to index
      %get3A_136 = tpu.vector_load %arg4[%get3A_135] {strides = array<i32>} : memref<32768xi32, #tpu.memory_space<vmem>>, vector<16xi32>,
      %mul3A_137 = arith.constant 16 : i32
      %mul3A_138 = arith.muli %scan3A_49, %mul3A_137 : i32
      %add3A_139 = arith.constant 11 : i32
      %add3A_140 = arith.addi %mul3A_138, %add3A_139 : i32
      %mul3A_141 = arith.constant 16 : i32
      %mul3A_142 = arith.muli %add3A_140, %mul3A_141 : i32
      %get3A_143 = arith.index_cast %mul3A_142 : i32 to index
      %get3A_144 = tpu.vector_load %arg4[%get3A_143] {strides = array<i32>} : memref<32768xi32, #tpu.memory_space<vmem>>, vector<16xi32>,
      %mul3A_145 = arith.constant 16 : i32
      %mul3A_146 = arith.muli %scan3A_49, %mul3A_145 : i32
      %add3A_147 = arith.constant 12 : i32
      %add3A_148 = arith.addi %mul3A_146, %add3A_147 : i32
      %mul3A_149 = arith.constant 16 : i32
      %mul3A_150 = arith.muli %add3A_148, %mul3A_149 : i32
      %get3A_151 = arith.index_cast %mul3A_150 : i32 to index
      %get3A_152 = tpu.vector_load %arg4[%get3A_151] {strides = array<i32>} : memref<32768xi32, #tpu.memory_space<vmem>>, vector<16xi32>,
      %mul3A_153 = arith.constant 16 : i32
      %mul3A_154 = arith.muli %scan3A_49, %mul3A_153 : i32
      %add3A_155 = arith.constant 13 : i32
      %add3A_156 = arith.addi %mul3A_154, %add3A_155 : i32
      %mul3A_157 = arith.constant 16 : i32
      %mul3A_158 = arith.muli %add3A_156, %mul3A_157 : i32
      %get3A_159 = arith.index_cast %mul3A_158 : i32 to index
      %get3A_160 = tpu.vector_load %arg4[%get3A_159] {strides = array<i32>} : memref<32768xi32, #tpu.memory_space<vmem>>, vector<16xi32>,
      %mul3A_161 = arith.constant 16 : i32
      %mul3A_162 = arith.muli %scan3A_49, %mul3A_161 : i32
      %add3A_163 = arith.constant 14 : i32
      %add3A_164 = arith.addi %mul3A_162, %add3A_163 : i32
      %mul3A_165 = arith.constant 16 : i32
      %mul3A_166 = arith.muli %add3A_164, %mul3A_165 : i32
      %get3A_167 = arith.index_cast %mul3A_166 : i32 to index
      %get3A_168 = tpu.vector_load %arg4[%get3A_167] {strides = array<i32>} : memref<32768xi32, #tpu.memory_space<vmem>>, vector<16xi32>,
      %mul3A_169 = arith.constant 16 : i32
      %mul3A_170 = arith.muli %scan3A_49, %mul3A_169 : i32
      %add3A_171 = arith.constant 15 : i32
      %add3A_172 = arith.addi %mul3A_170, %add3A_171 : i32
      %mul3A_173 = arith.constant 16 : i32
      %mul3A_174 = arith.muli %add3A_172, %mul3A_173 : i32
      %get3A_175 = arith.index_cast %mul3A_174 : i32 to index
      %get3A_176 = tpu.vector_load %arg4[%get3A_175] {strides = array<i32>} : memref<32768xi32, #tpu.memory_space<vmem>>, vector<16xi32>,
      %mul3A_177 = arith.constant 16 : i32
      %mul3A_178 = arith.muli %scan3A_49, %mul3A_177 : i32
      %add3A_179 = arith.constant 0 : i32
      %add3A_180 = arith.addi %mul3A_178, %add3A_179 : i32
      %shift_right_arithmetic3A = arith.constant 3 : i32
      %shift_right_arithmetic3A_181 = arith.shrsi %add3A_180, %shift_right_arithmetic3A : i32
      %and3A = arith.constant 7 : i32
      %and3A_182 = arith.andi %shift_right_arithmetic3A_181, %and3A : i32
      %mul3A_183 = arith.constant 1024 : i32
      %mul3A_184 = arith.muli %and3A_182, %mul3A_183 : i32
      %broadcast_in_dim3A_185 = vector.broadcast %mul3A_184 : i32 to vector<16xi32>
      %add3A_186 = arith.addi %get3A_56, %broadcast_in_dim3A_185 : vector<16xi32>
      %mul3A_187 = arith.constant 16 : i32
      %mul3A_188 = arith.muli %scan3A_49, %mul3A_187 : i32
      %add3A_189 = arith.constant 1 : i32
      %add3A_190 = arith.addi %mul3A_188, %add3A_189 : i32
      %shift_right_arithmetic3A_191 = arith.constant 3 : i32
      %shift_right_arithmetic3A_192 = arith.shrsi %add3A_190, %shift_right_arithmetic3A_191 : i32
      %and3A_193 = arith.constant 7 : i32
      %and3A_194 = arith.andi %shift_right_arithmetic3A_192, %and3A_193 : i32
      %mul3A_195 = arith.constant 1024 : i32
      %mul3A_196 = arith.muli %and3A_194, %mul3A_195 : i32
      %broadcast_in_dim3A_197 = vector.broadcast %mul3A_196 : i32 to vector<16xi32>
      %add3A_198 = arith.addi %get3A_64, %broadcast_in_dim3A_197 : vector<16xi32>
      %mul3A_199 = arith.constant 16 : i32
      %mul3A_200 = arith.muli %scan3A_49, %mul3A_199 : i32
      %add3A_201 = arith.constant 2 : i32
      %add3A_202 = arith.addi %mul3A_200, %add3A_201 : i32
      %shift_right_arithmetic3A_203 = arith.constant 3 : i32
      %shift_right_arithmetic3A_204 = arith.shrsi %add3A_202, %shift_right_arithmetic3A_203 : i32
      %and3A_205 = arith.constant 7 : i32
      %and3A_206 = arith.andi %shift_right_arithmetic3A_204, %and3A_205 : i32
      %mul3A_207 = arith.constant 1024 : i32
      %mul3A_208 = arith.muli %and3A_206, %mul3A_207 : i32
      %broadcast_in_dim3A_209 = vector.broadcast %mul3A_208 : i32 to vector<16xi32>
      %add3A_210 = arith.addi %get3A_72, %broadcast_in_dim3A_209 : vector<16xi32>
      %mul3A_211 = arith.constant 16 : i32
      %mul3A_212 = arith.muli %scan3A_49, %mul3A_211 : i32
      %add3A_213 = arith.constant 3 : i32
      %add3A_214 = arith.addi %mul3A_212, %add3A_213 : i32
      %shift_right_arithmetic3A_215 = arith.constant 3 : i32
      %shift_right_arithmetic3A_216 = arith.shrsi %add3A_214, %shift_right_arithmetic3A_215 : i32
      %and3A_217 = arith.constant 7 : i32
      %and3A_218 = arith.andi %shift_right_arithmetic3A_216, %and3A_217 : i32
      %mul3A_219 = arith.constant 1024 : i32
      %mul3A_220 = arith.muli %and3A_218, %mul3A_219 : i32
      %broadcast_in_dim3A_221 = vector.broadcast %mul3A_220 : i32 to vector<16xi32>
      %add3A_222 = arith.addi %get3A_80, %broadcast_in_dim3A_221 : vector<16xi32>
      %mul3A_223 = arith.constant 16 : i32
      %mul3A_224 = arith.muli %scan3A_49, %mul3A_223 : i32
      %add3A_225 = arith.constant 4 : i32
      %add3A_226 = arith.addi %mul3A_224, %add3A_225 : i32
      %shift_right_arithmetic3A_227 = arith.constant 3 : i32
      %shift_right_arithmetic3A_228 = arith.shrsi %add3A_226, %shift_right_arithmetic3A_227 : i32
      %and3A_229 = arith.constant 7 : i32
      %and3A_230 = arith.andi %shift_right_arithmetic3A_228, %and3A_229 : i32
      %mul3A_231 = arith.constant 1024 : i32
      %mul3A_232 = arith.muli %and3A_230, %mul3A_231 : i32
      %broadcast_in_dim3A_233 = vector.broadcast %mul3A_232 : i32 to vector<16xi32>
      %add3A_234 = arith.addi %get3A_88, %broadcast_in_dim3A_233 : vector<16xi32>
      %mul3A_235 = arith.constant 16 : i32
      %mul3A_236 = arith.muli %scan3A_49, %mul3A_235 : i32
      %add3A_237 = arith.constant 5 : i32
      %add3A_238 = arith.addi %mul3A_236, %add3A_237 : i32
      %shift_right_arithmetic3A_239 = arith.constant 3 : i32
      %shift_right_arithmetic3A_240 = arith.shrsi %add3A_238, %shift_right_arithmetic3A_239 : i32
      %and3A_241 = arith.constant 7 : i32
      %and3A_242 = arith.andi %shift_right_arithmetic3A_240, %and3A_241 : i32
      %mul3A_243 = arith.constant 1024 : i32
      %mul3A_244 = arith.muli %and3A_242, %mul3A_243 : i32
      %broadcast_in_dim3A_245 = vector.broadcast %mul3A_244 : i32 to vector<16xi32>
      %add3A_246 = arith.addi %get3A_96, %broadcast_in_dim3A_245 : vector<16xi32>
      %mul3A_247 = arith.constant 16 : i32
      %mul3A_248 = arith.muli %scan3A_49, %mul3A_247 : i32
      %add3A_249 = arith.constant 6 : i32
      %add3A_250 = arith.addi %mul3A_248, %add3A_249 : i32
      %shift_right_arithmetic3A_251 = arith.constant 3 : i32
      %shift_right_arithmetic3A_252 = arith.shrsi %add3A_250, %shift_right_arithmetic3A_251 : i32
      %and3A_253 = arith.constant 7 : i32
      %and3A_254 = arith.andi %shift_right_arithmetic3A_252, %and3A_253 : i32
      %mul3A_255 = arith.constant 1024 : i32
      %mul3A_256 = arith.muli %and3A_254, %mul3A_255 : i32
      %broadcast_in_dim3A_257 = vector.broadcast %mul3A_256 : i32 to vector<16xi32>
      %add3A_258 = arith.addi %get3A_104, %broadcast_in_dim3A_257 : vector<16xi32>
      %mul3A_259 = arith.constant 16 : i32
      %mul3A_260 = arith.muli %scan3A_49, %mul3A_259 : i32
      %add3A_261 = arith.constant 7 : i32
      %add3A_262 = arith.addi %mul3A_260, %add3A_261 : i32
      %shift_right_arithmetic3A_263 = arith.constant 3 : i32
      %shift_right_arithmetic3A_264 = arith.shrsi %add3A_262, %shift_right_arithmetic3A_263 : i32
      %and3A_265 = arith.constant 7 : i32
      %and3A_266 = arith.andi %shift_right_arithmetic3A_264, %and3A_265 : i32
      %mul3A_267 = arith.constant 1024 : i32
      %mul3A_268 = arith.muli %and3A_266, %mul3A_267 : i32
      %broadcast_in_dim3A_269 = vector.broadcast %mul3A_268 : i32 to vector<16xi32>
      %add3A_270 = arith.addi %get3A_112, %broadcast_in_dim3A_269 : vector<16xi32>
      %mul3A_271 = arith.constant 16 : i32
      %mul3A_272 = arith.muli %scan3A_49, %mul3A_271 : i32
      %add3A_273 = arith.constant 8 : i32
      %add3A_274 = arith.addi %mul3A_272, %add3A_273 : i32
      %shift_right_arithmetic3A_275 = arith.constant 3 : i32
      %shift_right_arithmetic3A_276 = arith.shrsi %add3A_274, %shift_right_arithmetic3A_275 : i32
      %and3A_277 = arith.constant 7 : i32
      %and3A_278 = arith.andi %shift_right_arithmetic3A_276, %and3A_277 : i32
      %mul3A_279 = arith.constant 1024 : i32
      %mul3A_280 = arith.muli %and3A_278, %mul3A_279 : i32
      %broadcast_in_dim3A_281 = vector.broadcast %mul3A_280 : i32 to vector<16xi32>
      %add3A_282 = arith.addi %get3A_120, %broadcast_in_dim3A_281 : vector<16xi32>
      %mul3A_283 = arith.constant 16 : i32
      %mul3A_284 = arith.muli %scan3A_49, %mul3A_283 : i32
      %add3A_285 = arith.constant 9 : i32
      %add3A_286 = arith.addi %mul3A_284, %add3A_285 : i32
      %shift_right_arithmetic3A_287 = arith.constant 3 : i32
      %shift_right_arithmetic3A_288 = arith.shrsi %add3A_286, %shift_right_arithmetic3A_287 : i32
      %and3A_289 = arith.constant 7 : i32
      %and3A_290 = arith.andi %shift_right_arithmetic3A_288, %and3A_289 : i32
      %mul3A_291 = arith.constant 1024 : i32
      %mul3A_292 = arith.muli %and3A_290, %mul3A_291 : i32
      %broadcast_in_dim3A_293 = vector.broadcast %mul3A_292 : i32 to vector<16xi32>
      %add3A_294 = arith.addi %get3A_128, %broadcast_in_dim3A_293 : vector<16xi32>
      %mul3A_295 = arith.constant 16 : i32
      %mul3A_296 = arith.muli %scan3A_49, %mul3A_295 : i32
      %add3A_297 = arith.constant 10 : i32
      %add3A_298 = arith.addi %mul3A_296, %add3A_297 : i32
      %shift_right_arithmetic3A_299 = arith.constant 3 : i32
      %shift_right_arithmetic3A_300 = arith.shrsi %add3A_298, %shift_right_arithmetic3A_299 : i32
      %and3A_301 = arith.constant 7 : i32
      %and3A_302 = arith.andi %shift_right_arithmetic3A_300, %and3A_301 : i32
      %mul3A_303 = arith.constant 1024 : i32
      %mul3A_304 = arith.muli %and3A_302, %mul3A_303 : i32
      %broadcast_in_dim3A_305 = vector.broadcast %mul3A_304 : i32 to vector<16xi32>
      %add3A_306 = arith.addi %get3A_136, %broadcast_in_dim3A_305 : vector<16xi32>
      %mul3A_307 = arith.constant 16 : i32
      %mul3A_308 = arith.muli %scan3A_49, %mul3A_307 : i32
      %add3A_309 = arith.constant 11 : i32
      %add3A_310 = arith.addi %mul3A_308, %add3A_309 : i32
      %shift_right_arithmetic3A_311 = arith.constant 3 : i32
      %shift_right_arithmetic3A_312 = arith.shrsi %add3A_310, %shift_right_arithmetic3A_311 : i32
      %and3A_313 = arith.constant 7 : i32
      %and3A_314 = arith.andi %shift_right_arithmetic3A_312, %and3A_313 : i32
      %mul3A_315 = arith.constant 1024 : i32
      %mul3A_316 = arith.muli %and3A_314, %mul3A_315 : i32
      %broadcast_in_dim3A_317 = vector.broadcast %mul3A_316 : i32 to vector<16xi32>
      %add3A_318 = arith.addi %get3A_144, %broadcast_in_dim3A_317 : vector<16xi32>
      %mul3A_319 = arith.constant 16 : i32
      %mul3A_320 = arith.muli %scan3A_49, %mul3A_319 : i32
      %add3A_321 = arith.constant 12 : i32
      %add3A_322 = arith.addi %mul3A_320, %add3A_321 : i32
      %shift_right_arithmetic3A_323 = arith.constant 3 : i32
      %shift_right_arithmetic3A_324 = arith.shrsi %add3A_322, %shift_right_arithmetic3A_323 : i32
      %and3A_325 = arith.constant 7 : i32
      %and3A_326 = arith.andi %shift_right_arithmetic3A_324, %and3A_325 : i32
      %mul3A_327 = arith.constant 1024 : i32
      %mul3A_328 = arith.muli %and3A_326, %mul3A_327 : i32
      %broadcast_in_dim3A_329 = vector.broadcast %mul3A_328 : i32 to vector<16xi32>
      %add3A_330 = arith.addi %get3A_152, %broadcast_in_dim3A_329 : vector<16xi32>
      %mul3A_331 = arith.constant 16 : i32
      %mul3A_332 = arith.muli %scan3A_49, %mul3A_331 : i32
      %add3A_333 = arith.constant 13 : i32
      %add3A_334 = arith.addi %mul3A_332, %add3A_333 : i32
      %shift_right_arithmetic3A_335 = arith.constant 3 : i32
      %shift_right_arithmetic3A_336 = arith.shrsi %add3A_334, %shift_right_arithmetic3A_335 : i32
      %and3A_337 = arith.constant 7 : i32
      %and3A_338 = arith.andi %shift_right_arithmetic3A_336, %and3A_337 : i32
      %mul3A_339 = arith.constant 1024 : i32
      %mul3A_340 = arith.muli %and3A_338, %mul3A_339 : i32
      %broadcast_in_dim3A_341 = vector.broadcast %mul3A_340 : i32 to vector<16xi32>
      %add3A_342 = arith.addi %get3A_160, %broadcast_in_dim3A_341 : vector<16xi32>
      %mul3A_343 = arith.constant 16 : i32
      %mul3A_344 = arith.muli %scan3A_49, %mul3A_343 : i32
      %add3A_345 = arith.constant 14 : i32
      %add3A_346 = arith.addi %mul3A_344, %add3A_345 : i32
      %shift_right_arithmetic3A_347 = arith.constant 3 : i32
      %shift_right_arithmetic3A_348 = arith.shrsi %add3A_346, %shift_right_arithmetic3A_347 : i32
      %and3A_349 = arith.constant 7 : i32
      %and3A_350 = arith.andi %shift_right_arithmetic3A_348, %and3A_349 : i32
      %mul3A_351 = arith.constant 1024 : i32
      %mul3A_352 = arith.muli %and3A_350, %mul3A_351 : i32
      %broadcast_in_dim3A_353 = vector.broadcast %mul3A_352 : i32 to vector<16xi32>
      %add3A_354 = arith.addi %get3A_168, %broadcast_in_dim3A_353 : vector<16xi32>
      %mul3A_355 = arith.constant 16 : i32
      %mul3A_356 = arith.muli %scan3A_49, %mul3A_355 : i32
      %add3A_357 = arith.constant 15 : i32
      %add3A_358 = arith.addi %mul3A_356, %add3A_357 : i32
      %shift_right_arithmetic3A_359 = arith.constant 3 : i32
      %shift_right_arithmetic3A_360 = arith.shrsi %add3A_358, %shift_right_arithmetic3A_359 : i32
      %and3A_361 = arith.constant 7 : i32
      %and3A_362 = arith.andi %shift_right_arithmetic3A_360, %and3A_361 : i32
      %mul3A_363 = arith.constant 1024 : i32
      %mul3A_364 = arith.muli %and3A_362, %mul3A_363 : i32
      %broadcast_in_dim3A_365 = vector.broadcast %mul3A_364 : i32 to vector<16xi32>
      %add3A_366 = arith.addi %get3A_176, %broadcast_in_dim3A_365 : vector<16xi32>
      tpu.vector_store_idx %arg5[%add3A_186], %broadcast_in_dim3A_23 {add = true} : memref<8192xf32, #tpu.memory_space<vmem>>[vector<16xi32>], vector<16xf32>,
      tpu.vector_store_idx %arg5[%add3A_198], %broadcast_in_dim3A_23 {add = true} : memref<8192xf32, #tpu.memory_space<vmem>>[vector<16xi32>], vector<16xf32>,
      tpu.vector_store_idx %arg5[%add3A_210], %broadcast_in_dim3A_23 {add = true} : memref<8192xf32, #tpu.memory_space<vmem>>[vector<16xi32>], vector<16xf32>,
      tpu.vector_store_idx %arg5[%add3A_222], %broadcast_in_dim3A_23 {add = true} : memref<8192xf32, #tpu.memory_space<vmem>>[vector<16xi32>], vector<16xf32>,
      tpu.vector_store_idx %arg5[%add3A_234], %broadcast_in_dim3A_23 {add = true} : memref<8192xf32, #tpu.memory_space<vmem>>[vector<16xi32>], vector<16xf32>,
      tpu.vector_store_idx %arg5[%add3A_246], %broadcast_in_dim3A_23 {add = true} : memref<8192xf32, #tpu.memory_space<vmem>>[vector<16xi32>], vector<16xf32>,
      tpu.vector_store_idx %arg5[%add3A_258], %broadcast_in_dim3A_23 {add = true} : memref<8192xf32, #tpu.memory_space<vmem>>[vector<16xi32>], vector<16xf32>,
      tpu.vector_store_idx %arg5[%add3A_270], %broadcast_in_dim3A_23 {add = true} : memref<8192xf32, #tpu.memory_space<vmem>>[vector<16xi32>], vector<16xf32>,
      tpu.vector_store_idx %arg5[%add3A_282], %broadcast_in_dim3A_23 {add = true} : memref<8192xf32, #tpu.memory_space<vmem>>[vector<16xi32>], vector<16xf32>,
      tpu.vector_store_idx %arg5[%add3A_294], %broadcast_in_dim3A_23 {add = true} : memref<8192xf32, #tpu.memory_space<vmem>>[vector<16xi32>], vector<16xf32>,
      tpu.vector_store_idx %arg5[%add3A_306], %broadcast_in_dim3A_23 {add = true} : memref<8192xf32, #tpu.memory_space<vmem>>[vector<16xi32>], vector<16xf32>,
      tpu.vector_store_idx %arg5[%add3A_318], %broadcast_in_dim3A_23 {add = true} : memref<8192xf32, #tpu.memory_space<vmem>>[vector<16xi32>], vector<16xf32>,
      tpu.vector_store_idx %arg5[%add3A_330], %broadcast_in_dim3A_23 {add = true} : memref<8192xf32, #tpu.memory_space<vmem>>[vector<16xi32>], vector<16xf32>,
      tpu.vector_store_idx %arg5[%add3A_342], %broadcast_in_dim3A_23 {add = true} : memref<8192xf32, #tpu.memory_space<vmem>>[vector<16xi32>], vector<16xf32>,
      tpu.vector_store_idx %arg5[%add3A_354], %broadcast_in_dim3A_23 {add = true} : memref<8192xf32, #tpu.memory_space<vmem>>[vector<16xi32>], vector<16xf32>,
      tpu.vector_store_idx %arg5[%add3A_366], %broadcast_in_dim3A_23 {add = true} : memref<8192xf32, #tpu.memory_space<vmem>>[vector<16xi32>], vector<16xf32>,
    }
    %scan3A_34 = arith.constant 64 : i32
    %dma_wait3A_35 = arith.constant 16384 : i32
    %dma_wait3A_36 = tpu.memref_slice %arg4[%dma_wait3A_35] : memref<32768xi32, #tpu.memory_space<vmem>> -> memref<16384xi32, #tpu.memory_space<vmem>>
    %dma_wait3A_37 = tpu.memref_slice %arg2[%add3A_9] : memref<1048576xi32, #tpu.memory_space<hbm>> -> memref<16384xi32, #tpu.memory_space<hbm>>
    %dma_wait3A_38 = arith.constant 16384 : i32
    %dma_wait3A_39 = tpu.memref_slice %arg4[%dma_wait3A_38] : memref<32768xi32, #tpu.memory_space<vmem>> -> memref<16384xi32, #tpu.memory_space<vmem>>
    %dma_wait3A_40 = tpu.memref_slice %arg2[%add3A_9] : memref<1048576xi32, #tpu.memory_space<hbm>> -> memref<16384xi32, #tpu.memory_space<hbm>>
    tpu.wait_dma2 semaphore(%arg7 : memref<!tpu.dma_semaphore, #tpu.memory_space<semaphore_mem>>) src(%dma_wait3A_40 : memref<16384xi32, #tpu.memory_space<hbm>>) dst(%dma_wait3A_39 : memref<16384xi32, #tpu.memory_space<vmem>>)
    %scan3A_41 = arith.constant 0 : i32
    %scan3A_42 = arith.constant 64 : i32
    %scan3A_43 = arith.constant 64 : i32
    %scan3A_44 = arith.addi %scan3A_42, %scan3A_43 : i32
    %scan3A_45 = arith.constant 1 : i32
    scf.for %scan3A_49 = %scan3A_42 to %scan3A_44 step %scan3A_45  : i32 {
      %mul3A_50 = arith.constant 16 : i32
      %mul3A_51 = arith.muli %scan3A_49, %mul3A_50 : i32
      %add3A_52 = arith.constant 0 : i32
      %add3A_53 = arith.addi %mul3A_51, %add3A_52 : i32
      %mul3A_54 = arith.constant 16 : i32
      %mul3A_55 = arith.muli %add3A_53, %mul3A_54 : i32
      %get3A = arith.index_cast %mul3A_55 : i32 to index
      %get3A_56 = tpu.vector_load %arg4[%get3A] {strides = array<i32>} : memref<32768xi32, #tpu.memory_space<vmem>>, vector<16xi32>,
      %mul3A_57 = arith.constant 16 : i32
      %mul3A_58 = arith.muli %scan3A_49, %mul3A_57 : i32
      %add3A_59 = arith.constant 1 : i32
      %add3A_60 = arith.addi %mul3A_58, %add3A_59 : i32
      %mul3A_61 = arith.constant 16 : i32
      %mul3A_62 = arith.muli %add3A_60, %mul3A_61 : i32
      %get3A_63 = arith.index_cast %mul3A_62 : i32 to index
      %get3A_64 = tpu.vector_load %arg4[%get3A_63] {strides = array<i32>} : memref<32768xi32, #tpu.memory_space<vmem>>, vector<16xi32>,
      %mul3A_65 = arith.constant 16 : i32
      %mul3A_66 = arith.muli %scan3A_49, %mul3A_65 : i32
      %add3A_67 = arith.constant 2 : i32
      %add3A_68 = arith.addi %mul3A_66, %add3A_67 : i32
      %mul3A_69 = arith.constant 16 : i32
      %mul3A_70 = arith.muli %add3A_68, %mul3A_69 : i32
      %get3A_71 = arith.index_cast %mul3A_70 : i32 to index
      %get3A_72 = tpu.vector_load %arg4[%get3A_71] {strides = array<i32>} : memref<32768xi32, #tpu.memory_space<vmem>>, vector<16xi32>,
      %mul3A_73 = arith.constant 16 : i32
      %mul3A_74 = arith.muli %scan3A_49, %mul3A_73 : i32
      %add3A_75 = arith.constant 3 : i32
      %add3A_76 = arith.addi %mul3A_74, %add3A_75 : i32
      %mul3A_77 = arith.constant 16 : i32
      %mul3A_78 = arith.muli %add3A_76, %mul3A_77 : i32
      %get3A_79 = arith.index_cast %mul3A_78 : i32 to index
      %get3A_80 = tpu.vector_load %arg4[%get3A_79] {strides = array<i32>} : memref<32768xi32, #tpu.memory_space<vmem>>, vector<16xi32>,
      %mul3A_81 = arith.constant 16 : i32
      %mul3A_82 = arith.muli %scan3A_49, %mul3A_81 : i32
      %add3A_83 = arith.constant 4 : i32
      %add3A_84 = arith.addi %mul3A_82, %add3A_83 : i32
      %mul3A_85 = arith.constant 16 : i32
      %mul3A_86 = arith.muli %add3A_84, %mul3A_85 : i32
      %get3A_87 = arith.index_cast %mul3A_86 : i32 to index
      %get3A_88 = tpu.vector_load %arg4[%get3A_87] {strides = array<i32>} : memref<32768xi32, #tpu.memory_space<vmem>>, vector<16xi32>,
      %mul3A_89 = arith.constant 16 : i32
      %mul3A_90 = arith.muli %scan3A_49, %mul3A_89 : i32
      %add3A_91 = arith.constant 5 : i32
      %add3A_92 = arith.addi %mul3A_90, %add3A_91 : i32
      %mul3A_93 = arith.constant 16 : i32
      %mul3A_94 = arith.muli %add3A_92, %mul3A_93 : i32
      %get3A_95 = arith.index_cast %mul3A_94 : i32 to index
      %get3A_96 = tpu.vector_load %arg4[%get3A_95] {strides = array<i32>} : memref<32768xi32, #tpu.memory_space<vmem>>, vector<16xi32>,
      %mul3A_97 = arith.constant 16 : i32
      %mul3A_98 = arith.muli %scan3A_49, %mul3A_97 : i32
      %add3A_99 = arith.constant 6 : i32
      %add3A_100 = arith.addi %mul3A_98, %add3A_99 : i32
      %mul3A_101 = arith.constant 16 : i32
      %mul3A_102 = arith.muli %add3A_100, %mul3A_101 : i32
      %get3A_103 = arith.index_cast %mul3A_102 : i32 to index
      %get3A_104 = tpu.vector_load %arg4[%get3A_103] {strides = array<i32>} : memref<32768xi32, #tpu.memory_space<vmem>>, vector<16xi32>,
      %mul3A_105 = arith.constant 16 : i32
      %mul3A_106 = arith.muli %scan3A_49, %mul3A_105 : i32
      %add3A_107 = arith.constant 7 : i32
      %add3A_108 = arith.addi %mul3A_106, %add3A_107 : i32
      %mul3A_109 = arith.constant 16 : i32
      %mul3A_110 = arith.muli %add3A_108, %mul3A_109 : i32
      %get3A_111 = arith.index_cast %mul3A_110 : i32 to index
      %get3A_112 = tpu.vector_load %arg4[%get3A_111] {strides = array<i32>} : memref<32768xi32, #tpu.memory_space<vmem>>, vector<16xi32>,
      %mul3A_113 = arith.constant 16 : i32
      %mul3A_114 = arith.muli %scan3A_49, %mul3A_113 : i32
      %add3A_115 = arith.constant 8 : i32
      %add3A_116 = arith.addi %mul3A_114, %add3A_115 : i32
      %mul3A_117 = arith.constant 16 : i32
      %mul3A_118 = arith.muli %add3A_116, %mul3A_117 : i32
      %get3A_119 = arith.index_cast %mul3A_118 : i32 to index
      %get3A_120 = tpu.vector_load %arg4[%get3A_119] {strides = array<i32>} : memref<32768xi32, #tpu.memory_space<vmem>>, vector<16xi32>,
      %mul3A_121 = arith.constant 16 : i32
      %mul3A_122 = arith.muli %scan3A_49, %mul3A_121 : i32
      %add3A_123 = arith.constant 9 : i32
      %add3A_124 = arith.addi %mul3A_122, %add3A_123 : i32
      %mul3A_125 = arith.constant 16 : i32
      %mul3A_126 = arith.muli %add3A_124, %mul3A_125 : i32
      %get3A_127 = arith.index_cast %mul3A_126 : i32 to index
      %get3A_128 = tpu.vector_load %arg4[%get3A_127] {strides = array<i32>} : memref<32768xi32, #tpu.memory_space<vmem>>, vector<16xi32>,
      %mul3A_129 = arith.constant 16 : i32
      %mul3A_130 = arith.muli %scan3A_49, %mul3A_129 : i32
      %add3A_131 = arith.constant 10 : i32
      %add3A_132 = arith.addi %mul3A_130, %add3A_131 : i32
      %mul3A_133 = arith.constant 16 : i32
      %mul3A_134 = arith.muli %add3A_132, %mul3A_133 : i32
      %get3A_135 = arith.index_cast %mul3A_134 : i32 to index
      %get3A_136 = tpu.vector_load %arg4[%get3A_135] {strides = array<i32>} : memref<32768xi32, #tpu.memory_space<vmem>>, vector<16xi32>,
      %mul3A_137 = arith.constant 16 : i32
      %mul3A_138 = arith.muli %scan3A_49, %mul3A_137 : i32
      %add3A_139 = arith.constant 11 : i32
      %add3A_140 = arith.addi %mul3A_138, %add3A_139 : i32
      %mul3A_141 = arith.constant 16 : i32
      %mul3A_142 = arith.muli %add3A_140, %mul3A_141 : i32
      %get3A_143 = arith.index_cast %mul3A_142 : i32 to index
      %get3A_144 = tpu.vector_load %arg4[%get3A_143] {strides = array<i32>} : memref<32768xi32, #tpu.memory_space<vmem>>, vector<16xi32>,
      %mul3A_145 = arith.constant 16 : i32
      %mul3A_146 = arith.muli %scan3A_49, %mul3A_145 : i32
      %add3A_147 = arith.constant 12 : i32
      %add3A_148 = arith.addi %mul3A_146, %add3A_147 : i32
      %mul3A_149 = arith.constant 16 : i32
      %mul3A_150 = arith.muli %add3A_148, %mul3A_149 : i32
      %get3A_151 = arith.index_cast %mul3A_150 : i32 to index
      %get3A_152 = tpu.vector_load %arg4[%get3A_151] {strides = array<i32>} : memref<32768xi32, #tpu.memory_space<vmem>>, vector<16xi32>,
      %mul3A_153 = arith.constant 16 : i32
      %mul3A_154 = arith.muli %scan3A_49, %mul3A_153 : i32
      %add3A_155 = arith.constant 13 : i32
      %add3A_156 = arith.addi %mul3A_154, %add3A_155 : i32
      %mul3A_157 = arith.constant 16 : i32
      %mul3A_158 = arith.muli %add3A_156, %mul3A_157 : i32
      %get3A_159 = arith.index_cast %mul3A_158 : i32 to index
      %get3A_160 = tpu.vector_load %arg4[%get3A_159] {strides = array<i32>} : memref<32768xi32, #tpu.memory_space<vmem>>, vector<16xi32>,
      %mul3A_161 = arith.constant 16 : i32
      %mul3A_162 = arith.muli %scan3A_49, %mul3A_161 : i32
      %add3A_163 = arith.constant 14 : i32
      %add3A_164 = arith.addi %mul3A_162, %add3A_163 : i32
      %mul3A_165 = arith.constant 16 : i32
      %mul3A_166 = arith.muli %add3A_164, %mul3A_165 : i32
      %get3A_167 = arith.index_cast %mul3A_166 : i32 to index
      %get3A_168 = tpu.vector_load %arg4[%get3A_167] {strides = array<i32>} : memref<32768xi32, #tpu.memory_space<vmem>>, vector<16xi32>,
      %mul3A_169 = arith.constant 16 : i32
      %mul3A_170 = arith.muli %scan3A_49, %mul3A_169 : i32
      %add3A_171 = arith.constant 15 : i32
      %add3A_172 = arith.addi %mul3A_170, %add3A_171 : i32
      %mul3A_173 = arith.constant 16 : i32
      %mul3A_174 = arith.muli %add3A_172, %mul3A_173 : i32
      %get3A_175 = arith.index_cast %mul3A_174 : i32 to index
      %get3A_176 = tpu.vector_load %arg4[%get3A_175] {strides = array<i32>} : memref<32768xi32, #tpu.memory_space<vmem>>, vector<16xi32>,
      %mul3A_177 = arith.constant 16 : i32
      %mul3A_178 = arith.muli %scan3A_49, %mul3A_177 : i32
      %add3A_179 = arith.constant 0 : i32
      %add3A_180 = arith.addi %mul3A_178, %add3A_179 : i32
      %shift_right_arithmetic3A = arith.constant 3 : i32
      %shift_right_arithmetic3A_181 = arith.shrsi %add3A_180, %shift_right_arithmetic3A : i32
      %and3A = arith.constant 7 : i32
      %and3A_182 = arith.andi %shift_right_arithmetic3A_181, %and3A : i32
      %mul3A_183 = arith.constant 1024 : i32
      %mul3A_184 = arith.muli %and3A_182, %mul3A_183 : i32
      %broadcast_in_dim3A_185 = vector.broadcast %mul3A_184 : i32 to vector<16xi32>
      %add3A_186 = arith.addi %get3A_56, %broadcast_in_dim3A_185 : vector<16xi32>
      %mul3A_187 = arith.constant 16 : i32
      %mul3A_188 = arith.muli %scan3A_49, %mul3A_187 : i32
      %add3A_189 = arith.constant 1 : i32
      %add3A_190 = arith.addi %mul3A_188, %add3A_189 : i32
      %shift_right_arithmetic3A_191 = arith.constant 3 : i32
      %shift_right_arithmetic3A_192 = arith.shrsi %add3A_190, %shift_right_arithmetic3A_191 : i32
      %and3A_193 = arith.constant 7 : i32
      %and3A_194 = arith.andi %shift_right_arithmetic3A_192, %and3A_193 : i32
      %mul3A_195 = arith.constant 1024 : i32
      %mul3A_196 = arith.muli %and3A_194, %mul3A_195 : i32
      %broadcast_in_dim3A_197 = vector.broadcast %mul3A_196 : i32 to vector<16xi32>
      %add3A_198 = arith.addi %get3A_64, %broadcast_in_dim3A_197 : vector<16xi32>
      %mul3A_199 = arith.constant 16 : i32
      %mul3A_200 = arith.muli %scan3A_49, %mul3A_199 : i32
      %add3A_201 = arith.constant 2 : i32
      %add3A_202 = arith.addi %mul3A_200, %add3A_201 : i32
      %shift_right_arithmetic3A_203 = arith.constant 3 : i32
      %shift_right_arithmetic3A_204 = arith.shrsi %add3A_202, %shift_right_arithmetic3A_203 : i32
      %and3A_205 = arith.constant 7 : i32
      %and3A_206 = arith.andi %shift_right_arithmetic3A_204, %and3A_205 : i32
      %mul3A_207 = arith.constant 1024 : i32
      %mul3A_208 = arith.muli %and3A_206, %mul3A_207 : i32
      %broadcast_in_dim3A_209 = vector.broadcast %mul3A_208 : i32 to vector<16xi32>
      %add3A_210 = arith.addi %get3A_72, %broadcast_in_dim3A_209 : vector<16xi32>
      %mul3A_211 = arith.constant 16 : i32
      %mul3A_212 = arith.muli %scan3A_49, %mul3A_211 : i32
      %add3A_213 = arith.constant 3 : i32
      %add3A_214 = arith.addi %mul3A_212, %add3A_213 : i32
      %shift_right_arithmetic3A_215 = arith.constant 3 : i32
      %shift_right_arithmetic3A_216 = arith.shrsi %add3A_214, %shift_right_arithmetic3A_215 : i32
      %and3A_217 = arith.constant 7 : i32
      %and3A_218 = arith.andi %shift_right_arithmetic3A_216, %and3A_217 : i32
      %mul3A_219 = arith.constant 1024 : i32
      %mul3A_220 = arith.muli %and3A_218, %mul3A_219 : i32
      %broadcast_in_dim3A_221 = vector.broadcast %mul3A_220 : i32 to vector<16xi32>
      %add3A_222 = arith.addi %get3A_80, %broadcast_in_dim3A_221 : vector<16xi32>
      %mul3A_223 = arith.constant 16 : i32
      %mul3A_224 = arith.muli %scan3A_49, %mul3A_223 : i32
      %add3A_225 = arith.constant 4 : i32
      %add3A_226 = arith.addi %mul3A_224, %add3A_225 : i32
      %shift_right_arithmetic3A_227 = arith.constant 3 : i32
      %shift_right_arithmetic3A_228 = arith.shrsi %add3A_226, %shift_right_arithmetic3A_227 : i32
      %and3A_229 = arith.constant 7 : i32
      %and3A_230 = arith.andi %shift_right_arithmetic3A_228, %and3A_229 : i32
      %mul3A_231 = arith.constant 1024 : i32
      %mul3A_232 = arith.muli %and3A_230, %mul3A_231 : i32
      %broadcast_in_dim3A_233 = vector.broadcast %mul3A_232 : i32 to vector<16xi32>
      %add3A_234 = arith.addi %get3A_88, %broadcast_in_dim3A_233 : vector<16xi32>
      %mul3A_235 = arith.constant 16 : i32
      %mul3A_236 = arith.muli %scan3A_49, %mul3A_235 : i32
      %add3A_237 = arith.constant 5 : i32
      %add3A_238 = arith.addi %mul3A_236, %add3A_237 : i32
      %shift_right_arithmetic3A_239 = arith.constant 3 : i32
      %shift_right_arithmetic3A_240 = arith.shrsi %add3A_238, %shift_right_arithmetic3A_239 : i32
      %and3A_241 = arith.constant 7 : i32
      %and3A_242 = arith.andi %shift_right_arithmetic3A_240, %and3A_241 : i32
      %mul3A_243 = arith.constant 1024 : i32
      %mul3A_244 = arith.muli %and3A_242, %mul3A_243 : i32
      %broadcast_in_dim3A_245 = vector.broadcast %mul3A_244 : i32 to vector<16xi32>
      %add3A_246 = arith.addi %get3A_96, %broadcast_in_dim3A_245 : vector<16xi32>
      %mul3A_247 = arith.constant 16 : i32
      %mul3A_248 = arith.muli %scan3A_49, %mul3A_247 : i32
      %add3A_249 = arith.constant 6 : i32
      %add3A_250 = arith.addi %mul3A_248, %add3A_249 : i32
      %shift_right_arithmetic3A_251 = arith.constant 3 : i32
      %shift_right_arithmetic3A_252 = arith.shrsi %add3A_250, %shift_right_arithmetic3A_251 : i32
      %and3A_253 = arith.constant 7 : i32
      %and3A_254 = arith.andi %shift_right_arithmetic3A_252, %and3A_253 : i32
      %mul3A_255 = arith.constant 1024 : i32
      %mul3A_256 = arith.muli %and3A_254, %mul3A_255 : i32
      %broadcast_in_dim3A_257 = vector.broadcast %mul3A_256 : i32 to vector<16xi32>
      %add3A_258 = arith.addi %get3A_104, %broadcast_in_dim3A_257 : vector<16xi32>
      %mul3A_259 = arith.constant 16 : i32
      %mul3A_260 = arith.muli %scan3A_49, %mul3A_259 : i32
      %add3A_261 = arith.constant 7 : i32
      %add3A_262 = arith.addi %mul3A_260, %add3A_261 : i32
      %shift_right_arithmetic3A_263 = arith.constant 3 : i32
      %shift_right_arithmetic3A_264 = arith.shrsi %add3A_262, %shift_right_arithmetic3A_263 : i32
      %and3A_265 = arith.constant 7 : i32
      %and3A_266 = arith.andi %shift_right_arithmetic3A_264, %and3A_265 : i32
      %mul3A_267 = arith.constant 1024 : i32
      %mul3A_268 = arith.muli %and3A_266, %mul3A_267 : i32
      %broadcast_in_dim3A_269 = vector.broadcast %mul3A_268 : i32 to vector<16xi32>
      %add3A_270 = arith.addi %get3A_112, %broadcast_in_dim3A_269 : vector<16xi32>
      %mul3A_271 = arith.constant 16 : i32
      %mul3A_272 = arith.muli %scan3A_49, %mul3A_271 : i32
      %add3A_273 = arith.constant 8 : i32
      %add3A_274 = arith.addi %mul3A_272, %add3A_273 : i32
      %shift_right_arithmetic3A_275 = arith.constant 3 : i32
      %shift_right_arithmetic3A_276 = arith.shrsi %add3A_274, %shift_right_arithmetic3A_275 : i32
      %and3A_277 = arith.constant 7 : i32
      %and3A_278 = arith.andi %shift_right_arithmetic3A_276, %and3A_277 : i32
      %mul3A_279 = arith.constant 1024 : i32
      %mul3A_280 = arith.muli %and3A_278, %mul3A_279 : i32
      %broadcast_in_dim3A_281 = vector.broadcast %mul3A_280 : i32 to vector<16xi32>
      %add3A_282 = arith.addi %get3A_120, %broadcast_in_dim3A_281 : vector<16xi32>
      %mul3A_283 = arith.constant 16 : i32
      %mul3A_284 = arith.muli %scan3A_49, %mul3A_283 : i32
      %add3A_285 = arith.constant 9 : i32
      %add3A_286 = arith.addi %mul3A_284, %add3A_285 : i32
      %shift_right_arithmetic3A_287 = arith.constant 3 : i32
      %shift_right_arithmetic3A_288 = arith.shrsi %add3A_286, %shift_right_arithmetic3A_287 : i32
      %and3A_289 = arith.constant 7 : i32
      %and3A_290 = arith.andi %shift_right_arithmetic3A_288, %and3A_289 : i32
      %mul3A_291 = arith.constant 1024 : i32
      %mul3A_292 = arith.muli %and3A_290, %mul3A_291 : i32
      %broadcast_in_dim3A_293 = vector.broadcast %mul3A_292 : i32 to vector<16xi32>
      %add3A_294 = arith.addi %get3A_128, %broadcast_in_dim3A_293 : vector<16xi32>
      %mul3A_295 = arith.constant 16 : i32
      %mul3A_296 = arith.muli %scan3A_49, %mul3A_295 : i32
      %add3A_297 = arith.constant 10 : i32
      %add3A_298 = arith.addi %mul3A_296, %add3A_297 : i32
      %shift_right_arithmetic3A_299 = arith.constant 3 : i32
      %shift_right_arithmetic3A_300 = arith.shrsi %add3A_298, %shift_right_arithmetic3A_299 : i32
      %and3A_301 = arith.constant 7 : i32
      %and3A_302 = arith.andi %shift_right_arithmetic3A_300, %and3A_301 : i32
      %mul3A_303 = arith.constant 1024 : i32
      %mul3A_304 = arith.muli %and3A_302, %mul3A_303 : i32
      %broadcast_in_dim3A_305 = vector.broadcast %mul3A_304 : i32 to vector<16xi32>
      %add3A_306 = arith.addi %get3A_136, %broadcast_in_dim3A_305 : vector<16xi32>
      %mul3A_307 = arith.constant 16 : i32
      %mul3A_308 = arith.muli %scan3A_49, %mul3A_307 : i32
      %add3A_309 = arith.constant 11 : i32
      %add3A_310 = arith.addi %mul3A_308, %add3A_309 : i32
      %shift_right_arithmetic3A_311 = arith.constant 3 : i32
      %shift_right_arithmetic3A_312 = arith.shrsi %add3A_310, %shift_right_arithmetic3A_311 : i32
      %and3A_313 = arith.constant 7 : i32
      %and3A_314 = arith.andi %shift_right_arithmetic3A_312, %and3A_313 : i32
      %mul3A_315 = arith.constant 1024 : i32
      %mul3A_316 = arith.muli %and3A_314, %mul3A_315 : i32
      %broadcast_in_dim3A_317 = vector.broadcast %mul3A_316 : i32 to vector<16xi32>
      %add3A_318 = arith.addi %get3A_144, %broadcast_in_dim3A_317 : vector<16xi32>
      %mul3A_319 = arith.constant 16 : i32
      %mul3A_320 = arith.muli %scan3A_49, %mul3A_319 : i32
      %add3A_321 = arith.constant 12 : i32
      %add3A_322 = arith.addi %mul3A_320, %add3A_321 : i32
      %shift_right_arithmetic3A_323 = arith.constant 3 : i32
      %shift_right_arithmetic3A_324 = arith.shrsi %add3A_322, %shift_right_arithmetic3A_323 : i32
      %and3A_325 = arith.constant 7 : i32
      %and3A_326 = arith.andi %shift_right_arithmetic3A_324, %and3A_325 : i32
      %mul3A_327 = arith.constant 1024 : i32
      %mul3A_328 = arith.muli %and3A_326, %mul3A_327 : i32
      %broadcast_in_dim3A_329 = vector.broadcast %mul3A_328 : i32 to vector<16xi32>
      %add3A_330 = arith.addi %get3A_152, %broadcast_in_dim3A_329 : vector<16xi32>
      %mul3A_331 = arith.constant 16 : i32
      %mul3A_332 = arith.muli %scan3A_49, %mul3A_331 : i32
      %add3A_333 = arith.constant 13 : i32
      %add3A_334 = arith.addi %mul3A_332, %add3A_333 : i32
      %shift_right_arithmetic3A_335 = arith.constant 3 : i32
      %shift_right_arithmetic3A_336 = arith.shrsi %add3A_334, %shift_right_arithmetic3A_335 : i32
      %and3A_337 = arith.constant 7 : i32
      %and3A_338 = arith.andi %shift_right_arithmetic3A_336, %and3A_337 : i32
      %mul3A_339 = arith.constant 1024 : i32
      %mul3A_340 = arith.muli %and3A_338, %mul3A_339 : i32
      %broadcast_in_dim3A_341 = vector.broadcast %mul3A_340 : i32 to vector<16xi32>
      %add3A_342 = arith.addi %get3A_160, %broadcast_in_dim3A_341 : vector<16xi32>
      %mul3A_343 = arith.constant 16 : i32
      %mul3A_344 = arith.muli %scan3A_49, %mul3A_343 : i32
      %add3A_345 = arith.constant 14 : i32
      %add3A_346 = arith.addi %mul3A_344, %add3A_345 : i32
      %shift_right_arithmetic3A_347 = arith.constant 3 : i32
      %shift_right_arithmetic3A_348 = arith.shrsi %add3A_346, %shift_right_arithmetic3A_347 : i32
      %and3A_349 = arith.constant 7 : i32
      %and3A_350 = arith.andi %shift_right_arithmetic3A_348, %and3A_349 : i32
      %mul3A_351 = arith.constant 1024 : i32
      %mul3A_352 = arith.muli %and3A_350, %mul3A_351 : i32
      %broadcast_in_dim3A_353 = vector.broadcast %mul3A_352 : i32 to vector<16xi32>
      %add3A_354 = arith.addi %get3A_168, %broadcast_in_dim3A_353 : vector<16xi32>
      %mul3A_355 = arith.constant 16 : i32
      %mul3A_356 = arith.muli %scan3A_49, %mul3A_355 : i32
      %add3A_357 = arith.constant 15 : i32
      %add3A_358 = arith.addi %mul3A_356, %add3A_357 : i32
      %shift_right_arithmetic3A_359 = arith.constant 3 : i32
      %shift_right_arithmetic3A_360 = arith.shrsi %add3A_358, %shift_right_arithmetic3A_359 : i32
      %and3A_361 = arith.constant 7 : i32
      %and3A_362 = arith.andi %shift_right_arithmetic3A_360, %and3A_361 : i32
      %mul3A_363 = arith.constant 1024 : i32
      %mul3A_364 = arith.muli %and3A_362, %mul3A_363 : i32
      %broadcast_in_dim3A_365 = vector.broadcast %mul3A_364 : i32 to vector<16xi32>
      %add3A_366 = arith.addi %get3A_176, %broadcast_in_dim3A_365 : vector<16xi32>
      tpu.vector_store_idx %arg5[%add3A_186], %broadcast_in_dim3A_23 {add = true} : memref<8192xf32, #tpu.memory_space<vmem>>[vector<16xi32>], vector<16xf32>,
      tpu.vector_store_idx %arg5[%add3A_198], %broadcast_in_dim3A_23 {add = true} : memref<8192xf32, #tpu.memory_space<vmem>>[vector<16xi32>], vector<16xf32>,
      tpu.vector_store_idx %arg5[%add3A_210], %broadcast_in_dim3A_23 {add = true} : memref<8192xf32, #tpu.memory_space<vmem>>[vector<16xi32>], vector<16xf32>,
      tpu.vector_store_idx %arg5[%add3A_222], %broadcast_in_dim3A_23 {add = true} : memref<8192xf32, #tpu.memory_space<vmem>>[vector<16xi32>], vector<16xf32>,
      tpu.vector_store_idx %arg5[%add3A_234], %broadcast_in_dim3A_23 {add = true} : memref<8192xf32, #tpu.memory_space<vmem>>[vector<16xi32>], vector<16xf32>,
      tpu.vector_store_idx %arg5[%add3A_246], %broadcast_in_dim3A_23 {add = true} : memref<8192xf32, #tpu.memory_space<vmem>>[vector<16xi32>], vector<16xf32>,
      tpu.vector_store_idx %arg5[%add3A_258], %broadcast_in_dim3A_23 {add = true} : memref<8192xf32, #tpu.memory_space<vmem>>[vector<16xi32>], vector<16xf32>,
      tpu.vector_store_idx %arg5[%add3A_270], %broadcast_in_dim3A_23 {add = true} : memref<8192xf32, #tpu.memory_space<vmem>>[vector<16xi32>], vector<16xf32>,
      tpu.vector_store_idx %arg5[%add3A_282], %broadcast_in_dim3A_23 {add = true} : memref<8192xf32, #tpu.memory_space<vmem>>[vector<16xi32>], vector<16xf32>,
      tpu.vector_store_idx %arg5[%add3A_294], %broadcast_in_dim3A_23 {add = true} : memref<8192xf32, #tpu.memory_space<vmem>>[vector<16xi32>], vector<16xf32>,
      tpu.vector_store_idx %arg5[%add3A_306], %broadcast_in_dim3A_23 {add = true} : memref<8192xf32, #tpu.memory_space<vmem>>[vector<16xi32>], vector<16xf32>,
      tpu.vector_store_idx %arg5[%add3A_318], %broadcast_in_dim3A_23 {add = true} : memref<8192xf32, #tpu.memory_space<vmem>>[vector<16xi32>], vector<16xf32>,
      tpu.vector_store_idx %arg5[%add3A_330], %broadcast_in_dim3A_23 {add = true} : memref<8192xf32, #tpu.memory_space<vmem>>[vector<16xi32>], vector<16xf32>,
      tpu.vector_store_idx %arg5[%add3A_342], %broadcast_in_dim3A_23 {add = true} : memref<8192xf32, #tpu.memory_space<vmem>>[vector<16xi32>], vector<16xf32>,
      tpu.vector_store_idx %arg5[%add3A_354], %broadcast_in_dim3A_23 {add = true} : memref<8192xf32, #tpu.memory_space<vmem>>[vector<16xi32>], vector<16xf32>,
      tpu.vector_store_idx %arg5[%add3A_366], %broadcast_in_dim3A_23 {add = true} : memref<8192xf32, #tpu.memory_space<vmem>>[vector<16xi32>], vector<16xf32>,
    }
    %scan3A_46 = arith.constant 64 : i32
    %mul3A_47 = arith.constant 8192 : i32
    %mul3A_48 = arith.muli %add3A, %mul3A_47 : i32
    "tpu.region"() ({
      %run_scoped3A = tpu.sem_alloc : memref<!tpu.dma_semaphore, #tpu.memory_space<semaphore_mem>>
      %dma_start3A_49 = tpu.memref_slice %arg3[%mul3A_48] : memref<262144xf32, #tpu.memory_space<hbm>> -> memref<8192xf32, #tpu.memory_space<hbm>>
      %dma_start3A_50 = tpu.memref_slice %arg3[%mul3A_48] : memref<262144xf32, #tpu.memory_space<hbm>> -> memref<8192xf32, #tpu.memory_space<hbm>>
      tpu.enqueue_dma source(%arg5 : memref<8192xf32, #tpu.memory_space<vmem>>) target(%dma_start3A_50 : memref<8192xf32, #tpu.memory_space<hbm>>) target_semaphore(%run_scoped3A : memref<!tpu.dma_semaphore, #tpu.memory_space<semaphore_mem>>)
      %dma_wait3A_51 = tpu.memref_slice %arg3[%mul3A_48] : memref<262144xf32, #tpu.memory_space<hbm>> -> memref<8192xf32, #tpu.memory_space<hbm>>
      %dma_wait3A_52 = tpu.memref_slice %arg3[%mul3A_48] : memref<262144xf32, #tpu.memory_space<hbm>> -> memref<8192xf32, #tpu.memory_space<hbm>>
      tpu.wait_dma2 semaphore(%run_scoped3A : memref<!tpu.dma_semaphore, #tpu.memory_space<semaphore_mem>>) src(%arg5 : memref<8192xf32, #tpu.memory_space<vmem>>) dst(%dma_wait3A_52 : memref<8192xf32, #tpu.memory_space<hbm>>)
      tpu.yield
    }) : () -> ()
    return
  }
}

module attributes {stable_mosaic.version = 14 : i64} {
  func.func @_entropy_body(%arg0: memref<1x1xf32, #tpu.memory_space<smem>>, %arg1: memref<1x1xf32, #tpu.memory_space<smem>>, %arg2: memref<2048x128xf32, #tpu.memory_space<vmem>>, %arg3: memref<1x1xf32, #tpu.memory_space<smem>>, %arg4: memref<1x1xf32, #tpu.memory_space<smem>>, %arg5: memref<1x1xf32, #tpu.memory_space<smem>>, %arg6: memref<1x1xf32, #tpu.memory_space<smem>>) attributes {dimension_semantics = [], scalar_prefetch = 0 : i64, scratch_operands = 0 : i64, tpu.core_type = #tpu.core_type<tc>} {
    %get3A = arith.constant 0 : index
    %get3A_0 = arith.constant 0 : index
    %get3A_1 = vector.load %arg2[%get3A, %get3A_0] : memref<2048x128xf32, #tpu.memory_space<vmem>>, vector<64x128xf32>
    %get3A_2 = arith.constant 64 : index
    %get3A_3 = arith.constant 0 : index
    %get3A_4 = vector.load %arg2[%get3A_2, %get3A_3] : memref<2048x128xf32, #tpu.memory_space<vmem>>, vector<64x128xf32>
    %add3A = arith.addf %get3A_1, %get3A_4 : vector<64x128xf32>
    %get3A_5 = arith.constant 128 : index
    %get3A_6 = arith.constant 0 : index
    %get3A_7 = vector.load %arg2[%get3A_5, %get3A_6] : memref<2048x128xf32, #tpu.memory_space<vmem>>, vector<64x128xf32>
    %add3A_8 = arith.addf %add3A, %get3A_7 : vector<64x128xf32>
    %get3A_9 = arith.constant 192 : index
    %get3A_10 = arith.constant 0 : index
    %get3A_11 = vector.load %arg2[%get3A_9, %get3A_10] : memref<2048x128xf32, #tpu.memory_space<vmem>>, vector<64x128xf32>
    %add3A_12 = arith.addf %add3A_8, %get3A_11 : vector<64x128xf32>
    %get3A_13 = arith.constant 256 : index
    %get3A_14 = arith.constant 0 : index
    %get3A_15 = vector.load %arg2[%get3A_13, %get3A_14] : memref<2048x128xf32, #tpu.memory_space<vmem>>, vector<64x128xf32>
    %add3A_16 = arith.addf %add3A_12, %get3A_15 : vector<64x128xf32>
    %get3A_17 = arith.constant 320 : index
    %get3A_18 = arith.constant 0 : index
    %get3A_19 = vector.load %arg2[%get3A_17, %get3A_18] : memref<2048x128xf32, #tpu.memory_space<vmem>>, vector<64x128xf32>
    %add3A_20 = arith.addf %add3A_16, %get3A_19 : vector<64x128xf32>
    %get3A_21 = arith.constant 384 : index
    %get3A_22 = arith.constant 0 : index
    %get3A_23 = vector.load %arg2[%get3A_21, %get3A_22] : memref<2048x128xf32, #tpu.memory_space<vmem>>, vector<64x128xf32>
    %add3A_24 = arith.addf %add3A_20, %get3A_23 : vector<64x128xf32>
    %get3A_25 = arith.constant 448 : index
    %get3A_26 = arith.constant 0 : index
    %get3A_27 = vector.load %arg2[%get3A_25, %get3A_26] : memref<2048x128xf32, #tpu.memory_space<vmem>>, vector<64x128xf32>
    %add3A_28 = arith.addf %add3A_24, %get3A_27 : vector<64x128xf32>
    %get3A_29 = arith.constant 512 : index
    %get3A_30 = arith.constant 0 : index
    %get3A_31 = vector.load %arg2[%get3A_29, %get3A_30] : memref<2048x128xf32, #tpu.memory_space<vmem>>, vector<64x128xf32>
    %add3A_32 = arith.addf %add3A_28, %get3A_31 : vector<64x128xf32>
    %get3A_33 = arith.constant 576 : index
    %get3A_34 = arith.constant 0 : index
    %get3A_35 = vector.load %arg2[%get3A_33, %get3A_34] : memref<2048x128xf32, #tpu.memory_space<vmem>>, vector<64x128xf32>
    %add3A_36 = arith.addf %add3A_32, %get3A_35 : vector<64x128xf32>
    %get3A_37 = arith.constant 640 : index
    %get3A_38 = arith.constant 0 : index
    %get3A_39 = vector.load %arg2[%get3A_37, %get3A_38] : memref<2048x128xf32, #tpu.memory_space<vmem>>, vector<64x128xf32>
    %add3A_40 = arith.addf %add3A_36, %get3A_39 : vector<64x128xf32>
    %get3A_41 = arith.constant 704 : index
    %get3A_42 = arith.constant 0 : index
    %get3A_43 = vector.load %arg2[%get3A_41, %get3A_42] : memref<2048x128xf32, #tpu.memory_space<vmem>>, vector<64x128xf32>
    %add3A_44 = arith.addf %add3A_40, %get3A_43 : vector<64x128xf32>
    %get3A_45 = arith.constant 768 : index
    %get3A_46 = arith.constant 0 : index
    %get3A_47 = vector.load %arg2[%get3A_45, %get3A_46] : memref<2048x128xf32, #tpu.memory_space<vmem>>, vector<64x128xf32>
    %add3A_48 = arith.addf %add3A_44, %get3A_47 : vector<64x128xf32>
    %get3A_49 = arith.constant 832 : index
    %get3A_50 = arith.constant 0 : index
    %get3A_51 = vector.load %arg2[%get3A_49, %get3A_50] : memref<2048x128xf32, #tpu.memory_space<vmem>>, vector<64x128xf32>
    %add3A_52 = arith.addf %add3A_48, %get3A_51 : vector<64x128xf32>
    %get3A_53 = arith.constant 896 : index
    %get3A_54 = arith.constant 0 : index
    %get3A_55 = vector.load %arg2[%get3A_53, %get3A_54] : memref<2048x128xf32, #tpu.memory_space<vmem>>, vector<64x128xf32>
    %add3A_56 = arith.addf %add3A_52, %get3A_55 : vector<64x128xf32>
    %get3A_57 = arith.constant 960 : index
    %get3A_58 = arith.constant 0 : index
    %get3A_59 = vector.load %arg2[%get3A_57, %get3A_58] : memref<2048x128xf32, #tpu.memory_space<vmem>>, vector<64x128xf32>
    %add3A_60 = arith.addf %add3A_56, %get3A_59 : vector<64x128xf32>
    %get3A_61 = arith.constant 1024 : index
    %get3A_62 = arith.constant 0 : index
    %get3A_63 = vector.load %arg2[%get3A_61, %get3A_62] : memref<2048x128xf32, #tpu.memory_space<vmem>>, vector<64x128xf32>
    %add3A_64 = arith.addf %add3A_60, %get3A_63 : vector<64x128xf32>
    %get3A_65 = arith.constant 1088 : index
    %get3A_66 = arith.constant 0 : index
    %get3A_67 = vector.load %arg2[%get3A_65, %get3A_66] : memref<2048x128xf32, #tpu.memory_space<vmem>>, vector<64x128xf32>
    %add3A_68 = arith.addf %add3A_64, %get3A_67 : vector<64x128xf32>
    %get3A_69 = arith.constant 1152 : index
    %get3A_70 = arith.constant 0 : index
    %get3A_71 = vector.load %arg2[%get3A_69, %get3A_70] : memref<2048x128xf32, #tpu.memory_space<vmem>>, vector<64x128xf32>
    %add3A_72 = arith.addf %add3A_68, %get3A_71 : vector<64x128xf32>
    %get3A_73 = arith.constant 1216 : index
    %get3A_74 = arith.constant 0 : index
    %get3A_75 = vector.load %arg2[%get3A_73, %get3A_74] : memref<2048x128xf32, #tpu.memory_space<vmem>>, vector<64x128xf32>
    %add3A_76 = arith.addf %add3A_72, %get3A_75 : vector<64x128xf32>
    %get3A_77 = arith.constant 1280 : index
    %get3A_78 = arith.constant 0 : index
    %get3A_79 = vector.load %arg2[%get3A_77, %get3A_78] : memref<2048x128xf32, #tpu.memory_space<vmem>>, vector<64x128xf32>
    %add3A_80 = arith.addf %add3A_76, %get3A_79 : vector<64x128xf32>
    %get3A_81 = arith.constant 1344 : index
    %get3A_82 = arith.constant 0 : index
    %get3A_83 = vector.load %arg2[%get3A_81, %get3A_82] : memref<2048x128xf32, #tpu.memory_space<vmem>>, vector<64x128xf32>
    %add3A_84 = arith.addf %add3A_80, %get3A_83 : vector<64x128xf32>
    %get3A_85 = arith.constant 1408 : index
    %get3A_86 = arith.constant 0 : index
    %get3A_87 = vector.load %arg2[%get3A_85, %get3A_86] : memref<2048x128xf32, #tpu.memory_space<vmem>>, vector<64x128xf32>
    %add3A_88 = arith.addf %add3A_84, %get3A_87 : vector<64x128xf32>
    %get3A_89 = arith.constant 1472 : index
    %get3A_90 = arith.constant 0 : index
    %get3A_91 = vector.load %arg2[%get3A_89, %get3A_90] : memref<2048x128xf32, #tpu.memory_space<vmem>>, vector<64x128xf32>
    %add3A_92 = arith.addf %add3A_88, %get3A_91 : vector<64x128xf32>
    %get3A_93 = arith.constant 1536 : index
    %get3A_94 = arith.constant 0 : index
    %get3A_95 = vector.load %arg2[%get3A_93, %get3A_94] : memref<2048x128xf32, #tpu.memory_space<vmem>>, vector<64x128xf32>
    %add3A_96 = arith.addf %add3A_92, %get3A_95 : vector<64x128xf32>
    %get3A_97 = arith.constant 1600 : index
    %get3A_98 = arith.constant 0 : index
    %get3A_99 = vector.load %arg2[%get3A_97, %get3A_98] : memref<2048x128xf32, #tpu.memory_space<vmem>>, vector<64x128xf32>
    %add3A_100 = arith.addf %add3A_96, %get3A_99 : vector<64x128xf32>
    %get3A_101 = arith.constant 1664 : index
    %get3A_102 = arith.constant 0 : index
    %get3A_103 = vector.load %arg2[%get3A_101, %get3A_102] : memref<2048x128xf32, #tpu.memory_space<vmem>>, vector<64x128xf32>
    %add3A_104 = arith.addf %add3A_100, %get3A_103 : vector<64x128xf32>
    %get3A_105 = arith.constant 1728 : index
    %get3A_106 = arith.constant 0 : index
    %get3A_107 = vector.load %arg2[%get3A_105, %get3A_106] : memref<2048x128xf32, #tpu.memory_space<vmem>>, vector<64x128xf32>
    %add3A_108 = arith.addf %add3A_104, %get3A_107 : vector<64x128xf32>
    %get3A_109 = arith.constant 1792 : index
    %get3A_110 = arith.constant 0 : index
    %get3A_111 = vector.load %arg2[%get3A_109, %get3A_110] : memref<2048x128xf32, #tpu.memory_space<vmem>>, vector<64x128xf32>
    %add3A_112 = arith.addf %add3A_108, %get3A_111 : vector<64x128xf32>
    %get3A_113 = arith.constant 1856 : index
    %get3A_114 = arith.constant 0 : index
    %get3A_115 = vector.load %arg2[%get3A_113, %get3A_114] : memref<2048x128xf32, #tpu.memory_space<vmem>>, vector<64x128xf32>
    %add3A_116 = arith.addf %add3A_112, %get3A_115 : vector<64x128xf32>
    %get3A_117 = arith.constant 1920 : index
    %get3A_118 = arith.constant 0 : index
    %get3A_119 = vector.load %arg2[%get3A_117, %get3A_118] : memref<2048x128xf32, #tpu.memory_space<vmem>>, vector<64x128xf32>
    %add3A_120 = arith.addf %add3A_116, %get3A_119 : vector<64x128xf32>
    %get3A_121 = arith.constant 1984 : index
    %get3A_122 = arith.constant 0 : index
    %get3A_123 = vector.load %arg2[%get3A_121, %get3A_122] : memref<2048x128xf32, #tpu.memory_space<vmem>>, vector<64x128xf32>
    %add3A_124 = arith.addf %add3A_120, %get3A_123 : vector<64x128xf32>
    %slice3A = vector.extract_strided_slice %add3A_124 {offsets = [0, 0], sizes = [8, 128], strides = [1, 1]} : vector<64x128xf32> to vector<8x128xf32>
    %reduce_sum3A = vector.shape_cast %slice3A : vector<8x128xf32> to vector<1x8x128xf32>
    %reduce_sum3A_125 = arith.constant dense<0.000000e+00> : vector<1xf32>
    %reduce_sum3A_126 = vector.multi_reduction <add>, %reduce_sum3A, %reduce_sum3A_125 [1, 2] : vector<1x8x128xf32> to vector<1xf32>
    %reduce_sum3A_127 = vector.shape_cast %reduce_sum3A_126 : vector<1xf32> to vector<1x1x1xf32>
    %reduce_sum3A_128 = vector.extract %reduce_sum3A_127[0, 0, 0] : f32 from vector<1x1x1xf32>
    %div3A = vector.broadcast %reduce_sum3A_128 : f32 to vector<8x128xf32>
    %div3A_129 = arith.divf %slice3A, %div3A : vector<8x128xf32>
    %add3A_130 = arith.constant 9.99999993E-9 : f32
    %add3A_131 = vector.broadcast %add3A_130 : f32 to vector<8x128xf32>
    %add3A_132 = arith.addf %div3A_129, %add3A_131 : vector<8x128xf32>
    %log3A = math.log %add3A_132 : vector<8x128xf32>
    %mul3A = arith.mulf %div3A_129, %log3A : vector<8x128xf32>
    %reduce_sum3A_133 = vector.shape_cast %mul3A : vector<8x128xf32> to vector<1x8x128xf32>
    %reduce_sum3A_134 = arith.constant dense<0.000000e+00> : vector<1xf32>
    %reduce_sum3A_135 = vector.multi_reduction <add>, %reduce_sum3A_133, %reduce_sum3A_134 [1, 2] : vector<1x8x128xf32> to vector<1xf32>
    %reduce_sum3A_136 = vector.shape_cast %reduce_sum3A_135 : vector<1xf32> to vector<1x1x1xf32>
    %reduce_sum3A_137 = vector.extract %reduce_sum3A_136[0, 0, 0] : f32 from vector<1x1x1xf32>
    %add3A_138 = arith.constant 0.000000e+00 : f32
    %add3A_139 = arith.addf %add3A_138, %reduce_sum3A_137 : f32
    %slice3A_140 = vector.extract_strided_slice %add3A_124 {offsets = [8, 0], sizes = [8, 128], strides = [1, 1]} : vector<64x128xf32> to vector<8x128xf32>
    %reduce_sum3A_141 = vector.shape_cast %slice3A_140 : vector<8x128xf32> to vector<1x8x128xf32>
    %reduce_sum3A_142 = arith.constant dense<0.000000e+00> : vector<1xf32>
    %reduce_sum3A_143 = vector.multi_reduction <add>, %reduce_sum3A_141, %reduce_sum3A_142 [1, 2] : vector<1x8x128xf32> to vector<1xf32>
    %reduce_sum3A_144 = vector.shape_cast %reduce_sum3A_143 : vector<1xf32> to vector<1x1x1xf32>
    %reduce_sum3A_145 = vector.extract %reduce_sum3A_144[0, 0, 0] : f32 from vector<1x1x1xf32>
    %div3A_146 = vector.broadcast %reduce_sum3A_145 : f32 to vector<8x128xf32>
    %div3A_147 = arith.divf %slice3A_140, %div3A_146 : vector<8x128xf32>
    %add3A_148 = arith.constant 9.99999993E-9 : f32
    %add3A_149 = vector.broadcast %add3A_148 : f32 to vector<8x128xf32>
    %add3A_150 = arith.addf %div3A_147, %add3A_149 : vector<8x128xf32>
    %log3A_151 = math.log %add3A_150 : vector<8x128xf32>
    %mul3A_152 = arith.mulf %div3A_147, %log3A_151 : vector<8x128xf32>
    %reduce_sum3A_153 = vector.shape_cast %mul3A_152 : vector<8x128xf32> to vector<1x8x128xf32>
    %reduce_sum3A_154 = arith.constant dense<0.000000e+00> : vector<1xf32>
    %reduce_sum3A_155 = vector.multi_reduction <add>, %reduce_sum3A_153, %reduce_sum3A_154 [1, 2] : vector<1x8x128xf32> to vector<1xf32>
    %reduce_sum3A_156 = vector.shape_cast %reduce_sum3A_155 : vector<1xf32> to vector<1x1x1xf32>
    %reduce_sum3A_157 = vector.extract %reduce_sum3A_156[0, 0, 0] : f32 from vector<1x1x1xf32>
    %add3A_158 = arith.addf %add3A_139, %reduce_sum3A_157 : f32
    %slice3A_159 = vector.extract_strided_slice %add3A_124 {offsets = [16, 0], sizes = [8, 128], strides = [1, 1]} : vector<64x128xf32> to vector<8x128xf32>
    %reduce_sum3A_160 = vector.shape_cast %slice3A_159 : vector<8x128xf32> to vector<1x8x128xf32>
    %reduce_sum3A_161 = arith.constant dense<0.000000e+00> : vector<1xf32>
    %reduce_sum3A_162 = vector.multi_reduction <add>, %reduce_sum3A_160, %reduce_sum3A_161 [1, 2] : vector<1x8x128xf32> to vector<1xf32>
    %reduce_sum3A_163 = vector.shape_cast %reduce_sum3A_162 : vector<1xf32> to vector<1x1x1xf32>
    %reduce_sum3A_164 = vector.extract %reduce_sum3A_163[0, 0, 0] : f32 from vector<1x1x1xf32>
    %div3A_165 = vector.broadcast %reduce_sum3A_164 : f32 to vector<8x128xf32>
    %div3A_166 = arith.divf %slice3A_159, %div3A_165 : vector<8x128xf32>
    %add3A_167 = arith.constant 9.99999993E-9 : f32
    %add3A_168 = vector.broadcast %add3A_167 : f32 to vector<8x128xf32>
    %add3A_169 = arith.addf %div3A_166, %add3A_168 : vector<8x128xf32>
    %log3A_170 = math.log %add3A_169 : vector<8x128xf32>
    %mul3A_171 = arith.mulf %div3A_166, %log3A_170 : vector<8x128xf32>
    %reduce_sum3A_172 = vector.shape_cast %mul3A_171 : vector<8x128xf32> to vector<1x8x128xf32>
    %reduce_sum3A_173 = arith.constant dense<0.000000e+00> : vector<1xf32>
    %reduce_sum3A_174 = vector.multi_reduction <add>, %reduce_sum3A_172, %reduce_sum3A_173 [1, 2] : vector<1x8x128xf32> to vector<1xf32>
    %reduce_sum3A_175 = vector.shape_cast %reduce_sum3A_174 : vector<1xf32> to vector<1x1x1xf32>
    %reduce_sum3A_176 = vector.extract %reduce_sum3A_175[0, 0, 0] : f32 from vector<1x1x1xf32>
    %add3A_177 = arith.addf %add3A_158, %reduce_sum3A_176 : f32
    %slice3A_178 = vector.extract_strided_slice %add3A_124 {offsets = [24, 0], sizes = [8, 128], strides = [1, 1]} : vector<64x128xf32> to vector<8x128xf32>
    %reduce_sum3A_179 = vector.shape_cast %slice3A_178 : vector<8x128xf32> to vector<1x8x128xf32>
    %reduce_sum3A_180 = arith.constant dense<0.000000e+00> : vector<1xf32>
    %reduce_sum3A_181 = vector.multi_reduction <add>, %reduce_sum3A_179, %reduce_sum3A_180 [1, 2] : vector<1x8x128xf32> to vector<1xf32>
    %reduce_sum3A_182 = vector.shape_cast %reduce_sum3A_181 : vector<1xf32> to vector<1x1x1xf32>
    %reduce_sum3A_183 = vector.extract %reduce_sum3A_182[0, 0, 0] : f32 from vector<1x1x1xf32>
    %div3A_184 = vector.broadcast %reduce_sum3A_183 : f32 to vector<8x128xf32>
    %div3A_185 = arith.divf %slice3A_178, %div3A_184 : vector<8x128xf32>
    %add3A_186 = arith.constant 9.99999993E-9 : f32
    %add3A_187 = vector.broadcast %add3A_186 : f32 to vector<8x128xf32>
    %add3A_188 = arith.addf %div3A_185, %add3A_187 : vector<8x128xf32>
    %log3A_189 = math.log %add3A_188 : vector<8x128xf32>
    %mul3A_190 = arith.mulf %div3A_185, %log3A_189 : vector<8x128xf32>
    %reduce_sum3A_191 = vector.shape_cast %mul3A_190 : vector<8x128xf32> to vector<1x8x128xf32>
    %reduce_sum3A_192 = arith.constant dense<0.000000e+00> : vector<1xf32>
    %reduce_sum3A_193 = vector.multi_reduction <add>, %reduce_sum3A_191, %reduce_sum3A_192 [1, 2] : vector<1x8x128xf32> to vector<1xf32>
    %reduce_sum3A_194 = vector.shape_cast %reduce_sum3A_193 : vector<1xf32> to vector<1x1x1xf32>
    %reduce_sum3A_195 = vector.extract %reduce_sum3A_194[0, 0, 0] : f32 from vector<1x1x1xf32>
    %add3A_196 = arith.addf %add3A_177, %reduce_sum3A_195 : f32
    %slice3A_197 = vector.extract_strided_slice %add3A_124 {offsets = [32, 0], sizes = [8, 128], strides = [1, 1]} : vector<64x128xf32> to vector<8x128xf32>
    %reduce_sum3A_198 = vector.shape_cast %slice3A_197 : vector<8x128xf32> to vector<1x8x128xf32>
    %reduce_sum3A_199 = arith.constant dense<0.000000e+00> : vector<1xf32>
    %reduce_sum3A_200 = vector.multi_reduction <add>, %reduce_sum3A_198, %reduce_sum3A_199 [1, 2] : vector<1x8x128xf32> to vector<1xf32>
    %reduce_sum3A_201 = vector.shape_cast %reduce_sum3A_200 : vector<1xf32> to vector<1x1x1xf32>
    %reduce_sum3A_202 = vector.extract %reduce_sum3A_201[0, 0, 0] : f32 from vector<1x1x1xf32>
    %div3A_203 = vector.broadcast %reduce_sum3A_202 : f32 to vector<8x128xf32>
    %div3A_204 = arith.divf %slice3A_197, %div3A_203 : vector<8x128xf32>
    %add3A_205 = arith.constant 9.99999993E-9 : f32
    %add3A_206 = vector.broadcast %add3A_205 : f32 to vector<8x128xf32>
    %add3A_207 = arith.addf %div3A_204, %add3A_206 : vector<8x128xf32>
    %log3A_208 = math.log %add3A_207 : vector<8x128xf32>
    %mul3A_209 = arith.mulf %div3A_204, %log3A_208 : vector<8x128xf32>
    %reduce_sum3A_210 = vector.shape_cast %mul3A_209 : vector<8x128xf32> to vector<1x8x128xf32>
    %reduce_sum3A_211 = arith.constant dense<0.000000e+00> : vector<1xf32>
    %reduce_sum3A_212 = vector.multi_reduction <add>, %reduce_sum3A_210, %reduce_sum3A_211 [1, 2] : vector<1x8x128xf32> to vector<1xf32>
    %reduce_sum3A_213 = vector.shape_cast %reduce_sum3A_212 : vector<1xf32> to vector<1x1x1xf32>
    %reduce_sum3A_214 = vector.extract %reduce_sum3A_213[0, 0, 0] : f32 from vector<1x1x1xf32>
    %add3A_215 = arith.addf %add3A_196, %reduce_sum3A_214 : f32
    %slice3A_216 = vector.extract_strided_slice %add3A_124 {offsets = [40, 0], sizes = [8, 128], strides = [1, 1]} : vector<64x128xf32> to vector<8x128xf32>
    %reduce_sum3A_217 = vector.shape_cast %slice3A_216 : vector<8x128xf32> to vector<1x8x128xf32>
    %reduce_sum3A_218 = arith.constant dense<0.000000e+00> : vector<1xf32>
    %reduce_sum3A_219 = vector.multi_reduction <add>, %reduce_sum3A_217, %reduce_sum3A_218 [1, 2] : vector<1x8x128xf32> to vector<1xf32>
    %reduce_sum3A_220 = vector.shape_cast %reduce_sum3A_219 : vector<1xf32> to vector<1x1x1xf32>
    %reduce_sum3A_221 = vector.extract %reduce_sum3A_220[0, 0, 0] : f32 from vector<1x1x1xf32>
    %div3A_222 = vector.broadcast %reduce_sum3A_221 : f32 to vector<8x128xf32>
    %div3A_223 = arith.divf %slice3A_216, %div3A_222 : vector<8x128xf32>
    %add3A_224 = arith.constant 9.99999993E-9 : f32
    %add3A_225 = vector.broadcast %add3A_224 : f32 to vector<8x128xf32>
    %add3A_226 = arith.addf %div3A_223, %add3A_225 : vector<8x128xf32>
    %log3A_227 = math.log %add3A_226 : vector<8x128xf32>
    %mul3A_228 = arith.mulf %div3A_223, %log3A_227 : vector<8x128xf32>
    %reduce_sum3A_229 = vector.shape_cast %mul3A_228 : vector<8x128xf32> to vector<1x8x128xf32>
    %reduce_sum3A_230 = arith.constant dense<0.000000e+00> : vector<1xf32>
    %reduce_sum3A_231 = vector.multi_reduction <add>, %reduce_sum3A_229, %reduce_sum3A_230 [1, 2] : vector<1x8x128xf32> to vector<1xf32>
    %reduce_sum3A_232 = vector.shape_cast %reduce_sum3A_231 : vector<1xf32> to vector<1x1x1xf32>
    %reduce_sum3A_233 = vector.extract %reduce_sum3A_232[0, 0, 0] : f32 from vector<1x1x1xf32>
    %add3A_234 = arith.addf %add3A_215, %reduce_sum3A_233 : f32
    %slice3A_235 = vector.extract_strided_slice %add3A_124 {offsets = [48, 0], sizes = [8, 128], strides = [1, 1]} : vector<64x128xf32> to vector<8x128xf32>
    %reduce_sum3A_236 = vector.shape_cast %slice3A_235 : vector<8x128xf32> to vector<1x8x128xf32>
    %reduce_sum3A_237 = arith.constant dense<0.000000e+00> : vector<1xf32>
    %reduce_sum3A_238 = vector.multi_reduction <add>, %reduce_sum3A_236, %reduce_sum3A_237 [1, 2] : vector<1x8x128xf32> to vector<1xf32>
    %reduce_sum3A_239 = vector.shape_cast %reduce_sum3A_238 : vector<1xf32> to vector<1x1x1xf32>
    %reduce_sum3A_240 = vector.extract %reduce_sum3A_239[0, 0, 0] : f32 from vector<1x1x1xf32>
    %div3A_241 = vector.broadcast %reduce_sum3A_240 : f32 to vector<8x128xf32>
    %div3A_242 = arith.divf %slice3A_235, %div3A_241 : vector<8x128xf32>
    %add3A_243 = arith.constant 9.99999993E-9 : f32
    %add3A_244 = vector.broadcast %add3A_243 : f32 to vector<8x128xf32>
    %add3A_245 = arith.addf %div3A_242, %add3A_244 : vector<8x128xf32>
    %log3A_246 = math.log %add3A_245 : vector<8x128xf32>
    %mul3A_247 = arith.mulf %div3A_242, %log3A_246 : vector<8x128xf32>
    %reduce_sum3A_248 = vector.shape_cast %mul3A_247 : vector<8x128xf32> to vector<1x8x128xf32>
    %reduce_sum3A_249 = arith.constant dense<0.000000e+00> : vector<1xf32>
    %reduce_sum3A_250 = vector.multi_reduction <add>, %reduce_sum3A_248, %reduce_sum3A_249 [1, 2] : vector<1x8x128xf32> to vector<1xf32>
    %reduce_sum3A_251 = vector.shape_cast %reduce_sum3A_250 : vector<1xf32> to vector<1x1x1xf32>
    %reduce_sum3A_252 = vector.extract %reduce_sum3A_251[0, 0, 0] : f32 from vector<1x1x1xf32>
    %add3A_253 = arith.addf %add3A_234, %reduce_sum3A_252 : f32
    %slice3A_254 = vector.extract_strided_slice %add3A_124 {offsets = [56, 0], sizes = [8, 128], strides = [1, 1]} : vector<64x128xf32> to vector<8x128xf32>
    %reduce_sum3A_255 = vector.shape_cast %slice3A_254 : vector<8x128xf32> to vector<1x8x128xf32>
    %reduce_sum3A_256 = arith.constant dense<0.000000e+00> : vector<1xf32>
    %reduce_sum3A_257 = vector.multi_reduction <add>, %reduce_sum3A_255, %reduce_sum3A_256 [1, 2] : vector<1x8x128xf32> to vector<1xf32>
    %reduce_sum3A_258 = vector.shape_cast %reduce_sum3A_257 : vector<1xf32> to vector<1x1x1xf32>
    %reduce_sum3A_259 = vector.extract %reduce_sum3A_258[0, 0, 0] : f32 from vector<1x1x1xf32>
    %div3A_260 = vector.broadcast %reduce_sum3A_259 : f32 to vector<8x128xf32>
    %div3A_261 = arith.divf %slice3A_254, %div3A_260 : vector<8x128xf32>
    %add3A_262 = arith.constant 9.99999993E-9 : f32
    %add3A_263 = vector.broadcast %add3A_262 : f32 to vector<8x128xf32>
    %add3A_264 = arith.addf %div3A_261, %add3A_263 : vector<8x128xf32>
    %log3A_265 = math.log %add3A_264 : vector<8x128xf32>
    %mul3A_266 = arith.mulf %div3A_261, %log3A_265 : vector<8x128xf32>
    %reduce_sum3A_267 = vector.shape_cast %mul3A_266 : vector<8x128xf32> to vector<1x8x128xf32>
    %reduce_sum3A_268 = arith.constant dense<0.000000e+00> : vector<1xf32>
    %reduce_sum3A_269 = vector.multi_reduction <add>, %reduce_sum3A_267, %reduce_sum3A_268 [1, 2] : vector<1x8x128xf32> to vector<1xf32>
    %reduce_sum3A_270 = vector.shape_cast %reduce_sum3A_269 : vector<1xf32> to vector<1x1x1xf32>
    %reduce_sum3A_271 = vector.extract %reduce_sum3A_270[0, 0, 0] : f32 from vector<1x1x1xf32>
    %add3A_272 = arith.addf %add3A_253, %reduce_sum3A_271 : f32
    %get3A_273 = arith.constant 0 : index
    %get3A_274 = arith.constant 0 : index
    %get3A_275 = memref.load %arg0[%get3A_273, %get3A_274] : memref<1x1xf32, #tpu.memory_space<smem>>
    %mul3A_276 = arith.constant 1.000000e+00 : f32
    %mul3A_277 = arith.mulf %get3A_275, %mul3A_276 : f32
    %get3A_278 = arith.constant 0 : index
    %get3A_279 = arith.constant 0 : index
    %get3A_280 = memref.load %arg1[%get3A_278, %get3A_279] : memref<1x1xf32, #tpu.memory_space<smem>>
    %mul3A_281 = arith.constant 2.500000e-01 : f32
    %mul3A_282 = arith.mulf %get3A_280, %mul3A_281 : f32
    %div3A_283 = arith.constant 8.000000e+00 : f32
    %div3A_284 = arith.divf %add3A_272, %div3A_283 : f32
    %mul3A_285 = arith.constant 1.000000e-01 : f32
    %mul3A_286 = arith.mulf %div3A_284, %mul3A_285 : f32
    %swap3A = arith.constant 0 : index
    %swap3A_287 = arith.constant 0 : index
    %swap3A_288 = memref.load %arg3[%swap3A, %swap3A_287] : memref<1x1xf32, #tpu.memory_space<smem>>
    memref.store %mul3A_277, %arg3[%swap3A, %swap3A_287] : memref<1x1xf32, #tpu.memory_space<smem>>
    %swap3A_289 = arith.constant 0 : index
    %swap3A_290 = arith.constant 0 : index
    %swap3A_291 = memref.load %arg4[%swap3A_289, %swap3A_290] : memref<1x1xf32, #tpu.memory_space<smem>>
    memref.store %mul3A_282, %arg4[%swap3A_289, %swap3A_290] : memref<1x1xf32, #tpu.memory_space<smem>>
    %swap3A_292 = arith.constant 0 : index
    %swap3A_293 = arith.constant 0 : index
    %swap3A_294 = memref.load %arg5[%swap3A_292, %swap3A_293] : memref<1x1xf32, #tpu.memory_space<smem>>
    memref.store %mul3A_286, %arg5[%swap3A_292, %swap3A_293] : memref<1x1xf32, #tpu.memory_space<smem>>
    %add3A_295 = arith.addf %mul3A_277, %mul3A_282 : f32
    %add3A_296 = arith.addf %add3A_295, %mul3A_286 : f32
    %swap3A_297 = arith.constant 0 : index
    %swap3A_298 = arith.constant 0 : index
    %swap3A_299 = memref.load %arg6[%swap3A_297, %swap3A_298] : memref<1x1xf32, #tpu.memory_space<smem>>
    memref.store %add3A_296, %arg6[%swap3A_297, %swap3A_298] : memref<1x1xf32, #tpu.memory_space<smem>>
    return
  }
}

</mosaic_0001>

<sc_bundles>
// kernel: kernel.4.cloned.1.call-start
scs
__scs_entry_jumppad:
0x0: {  	(pc) =	sbr.rel $0x88, $3  }
0x1: {  	(tag) =	ssettag $0x0;
	lr =	simm.s32 $0x1  }
0x2: {  	[smem:$0x3F9E] =	sst lr;
	_ =	strace $0xD0000000  }
0x3: {  	_ = 	snop  }
0x4: {  	_ = 	snop  }
0x5: {  	_ = 	snop  }
0x6: {  	_ = 	snop  }
0x7: {  	_ = 	snop  }
__scs_overlays_trampoline_lowered:
0x8: {  	[smem:$0x3FAD] =	sst s0  }
0x9: {  	[smem:$0x3FAE] =	sst s1  }
0xa: {  	[smem:$0x3FAF] =	sst s2  }
0xb: {  	[smem:$0x3FB0] =	sst s3  }
0xc: {  	[smem:$0x3FB1] =	sst s4  }
0xd: {  	[smem:$0x3FB2] =	sst s5  }
0xe: {  	[smem:$0x3FB3] =	sst s6  }
0xf: {  	[smem:$0x3FB4] =	sst s7  }
0x10: {  	[smem:$0x3FB5] =	sst s8  }
0x11: {  	[smem:$0x3FB6] =	sst s9;
	s0 =	simm.s32 @!p0 $0x0  }
0x12: {  	s1 =	sld [smem:$0x3F9C];
	s0 =	simm.s32 @p0 $0x1  }
0x13: {  	[smem:$0x3FB7] =	sst s0;
	s0 =	simm.s32 @!p1 $0x0  }
0x14: {  	s2 =	sld [smem:$0x3F9B];
	s0 =	simm.s32 @p1 $0x1  }
0x15: {  	[smem:$0x3FB8] =	sst s0;
	s0 =	simm.s32 @!p2 $0x0  }
0x16: {  	s3 =	sld [smem:$0x3FDB];
	s0 =	simm.s32 @p2 $0x1  }
0x17: {  	s4 =	simm.s32 $0x1BF5;
	[smem:$0x3FBA] =	sst s0  }
0x18: {  	s0 =	sld [smem:$0x3F9D];
	_ =	swait.ge [sflag:s4], $0x0  }
0x19: {  	s7 =	sld [smem:$0x3F9E]  }
0x1a: {  	s8 =	sadd.s32 $0xFFFFE003, lr  }
0x1b: {  	s9 =	sadd.s32 $0xFFFFFEF7, lr;
	s5 =	simm.s32 $0xFFFFFFFF;
	p2 =	slt.u32 s8, $0xFFFFF086  }
0x1c: {  	p1 =	slt.u32 s9, $0xF7A;
	s5 =	simm.s32 @!p2 $0x0  }
0x1d: {  	s5 =	simm.s32 @p1 $0x1;
	p0 =	seq.s32 s7, s2  }
0x1e: {  	s7 =	smul.u32 @!p0 $0xF7A, s2;
	p2 =	seq.s32 @!p0 s5, $0x0  }
0x1f: {  	s9 =	smul.u32 $0xF7A, s1;
	s8 =	simm.s32 @!p0 $0x1BF5;
	p2 =	por !p2, p0  }
0x20: {  	[sflag:s8] =	ssyncset.s32 @!p0 $0xFFFFF086;
	s6 =	sadd.s32 @!p0 s3, s7;
	s7 =	simm.s32 @!p0 $0x108  }
0x21: {  	s3 =	sadd.s32 s3, s9;
	s6 =	sadd.s32 @!p0 $0x88, s6;
	s7 =	simm.s32 @p2 $0x1082  }
0x22: {  	[simem:s7], [sflag:s8] =	dma.local @!p0 [hbm:s6], $0xF7A  }
0x23: {  	s9 =	sor.u32 $0xD0000000, s2;
	s6 =	simm.s32 $0x108;
	_ =	swait.ge @!p0 [sflag:s8], $0x0  }
0x24: {  	s3 =	sadd.s32 $0x88, s3;
	s6 =	simm.s32 @!p1 $0x1082;
	[sflag:s4] =	ssyncset.s32 $0xFFFFF086  }
0x25: {  	[simem:s6], [sflag:s4] =	dma.local [hbm:s3], $0xF7A  }
0x26: {  	[smem:$0x3F9E] =	sst s1;
	(tag) =	ssettag s2;
	_ =	strace s9  }
0x27: {  	s1 =	sld [smem:$0x3FAE]  }
0x28: {  	s2 =	sld [smem:$0x3FAF]  }
0x29: {  	s4 =	sld [smem:$0x3FB1]  }
0x2a: {  	p0 =	seq.s32 s5, $0x0;
	s5 =	sld [smem:$0x3FB2]  }
0x2b: {  	s6 =	sld [smem:$0x3FB3]  }
0x2c: {  	s7 =	sld [smem:$0x3FB4]  }
0x2d: {  	s3 =	simm.s32 $0x108;
	s8 =	sld [smem:$0x3FB5]  }
0x2e: {  	s3 =	simm.s32 @!p0 $0x1082;
	s9 =	sld [smem:$0x3FB6]  }
0x2f: {  	lr =	sadd.s32 s0, s3;
	s0 =	sld [smem:$0x3FAD]  }
0x30: {  	s3 =	sld [smem:$0x3FB0]  }
0x31: {  	[smem:$0x3FB9] =	sst s10  }
0x32: {  	s10 =	sld [smem:$0x3FB7];
	_ =	sdelay $0x3  }
0x33: {  	p0 =	seq.s32 s10, $0x1;
	s10 =	sld [smem:$0x3FB9];
	_ =	sdelay $0x3  }
0x34: {  	[smem:$0x3FB9] =	sst s10  }
0x35: {  	s10 =	sld [smem:$0x3FB8];
	_ =	sdelay $0x3  }
0x36: {  	p1 =	seq.s32 s10, $0x1;
	s10 =	sld [smem:$0x3FB9];
	_ =	sdelay $0x3  }
0x37: {  	[smem:$0x3FB9] =	sst s10  }
0x38: {  	s10 =	sld [smem:$0x3FBA]  }
0x39: {  	_ = 	snop;
	(pc) =	sbr.ind lr, $3  }
0x3a: {  	_ = 	snop  }
0x3b: {  	_ = 	snop  }
0x3c: {  	p2 =	seq.s32 s10, $0x1;
	s10 =	sld [smem:$0x3FB9]  }
0x3d: {  	_ =	shalt  }
0x3e: {  	_ =	shalt  }
0x3f: {  	_ =	shalt  }
0x40: {  	_ =	shalt  }
0x41: {  	_ =	shalt  }
0x42: {  	_ =	shalt  }
0x43: {  	_ =	shalt  }
0x44: {  	_ =	shalt  }
0x45: {  	_ =	shalt  }
0x46: {  	_ =	shalt  }
0x47: {  	_ =	shalt  }
0x48: {  	_ =	shalt  }
0x49: {  	_ =	shalt  }
0x4a: {  	_ =	shalt  }
0x4b: {  	_ =	shalt  }
0x4c: {  	_ =	shalt  }
0x4d: {  	_ =	shalt  }
0x4e: {  	_ =	shalt  }
0x4f: {  	_ =	shalt  }
0x50: {  	_ =	shalt  }
0x51: {  	_ =	shalt  }
0x52: {  	_ =	shalt  }
0x53: {  	_ =	shalt  }
0x54: {  	_ =	shalt  }
0x55: {  	_ =	shalt  }
0x56: {  	_ =	shalt  }
0x57: {  	_ =	shalt  }
0x58: {  	_ =	shalt  }
0x59: {  	_ =	shalt  }
0x5a: {  	_ =	shalt  }
0x5b: {  	_ =	shalt  }
0x5c: {  	_ =	shalt  }
0x5d: {  	_ =	shalt  }
0x5e: {  	_ =	shalt  }
0x5f: {  	_ =	shalt  }
0x60: {  	_ =	shalt  }
0x61: {  	_ =	shalt  }
0x62: {  	_ =	shalt  }
0x63: {  	_ =	shalt  }
0x64: {  	_ =	shalt  }
0x65: {  	_ =	shalt  }
0x66: {  	_ =	shalt  }
0x67: {  	_ =	shalt  }
0x68: {  	_ =	shalt  }
0x69: {  	_ =	shalt  }
0x6a: {  	_ =	shalt  }
0x6b: {  	_ =	shalt  }
0x6c: {  	_ =	shalt  }
0x6d: {  	_ =	shalt  }
0x6e: {  	_ =	shalt  }
0x6f: {  	_ =	shalt  }
0x70: {  	_ =	shalt  }
0x71: {  	_ =	shalt  }
0x72: {  	_ =	shalt  }
0x73: {  	_ =	shalt  }
0x74: {  	_ =	shalt  }
0x75: {  	_ =	shalt  }
0x76: {  	_ =	shalt  }
0x77: {  	_ =	shalt  }
0x78: {  	_ =	shalt  }
0x79: {  	_ =	shalt  }
0x7a: {  	_ =	shalt  }
0x7b: {  	_ =	shalt  }
0x7c: {  	_ =	shalt  }
0x7d: {  	_ =	shalt  }
0x7e: {  	_ =	shalt  }
0x7f: {  	_ =	shalt  }
0x80: {  	_ =	shalt  }
0x81: {  	_ =	shalt  }
0x82: {  	_ =	shalt  }
0x83: {  	_ =	shalt  }
0x84: {  	_ =	shalt  }
0x85: {  	_ =	shalt  }
0x86: {  	_ =	shalt  }
0x87: {  	_ =	shalt  }
.Lfunc_end0:
.L_simem_size_0:
called_computation_lowered:
.L_overlay_start_0:
0x88: {  	s2 =	sld [smem:$0x3FD9]  }
0x89: {  	s3 =	sld [smem:$0x3FFE];
	_ =	sdelay $0x1  }
0x8a: {  	s1 =	srdreg.scid  }
0x8b: {  	s0 =	sand.u32 $0x1, s1  }
0x8c: {  	s17 =	sshll.u32 s0, $0xA;
	s2 =	sadd.s32 s3, s2  }
0x8d: {  	s2 =	sadd.s32 s2, s17  }
0x8e: {  	[smem:$0x3FC5] =	sst s2  }
0x8f: {  	_ = 	snop  }
0x90: {  	s2 =	sld [smem:$0x3FC7];
	(tm) =	ssettm $0x1  }
0x91: {  	s18 =	sld [smem:$0x3FFB];
	_ =	sdelay $0x3  }
0x92: {  	_ =	strace s18  }
0x93: {  	s3 =	sld [smem:$0x3FFC];
	_ =	sdelay $0x3  }
0x94: {  	_ =	strace s3  }
0x95: {  	s3 =	sld [smem:$0x3FFD];
	_ =	sdelay $0x3  }
0x96: {  	_ =	strace s3  }
0x97: {  	_ =	strace $0x8FFFFFFF  }
0x98: {  	s19 =	sld [smem:$0x3FDB];
	_ =	sdelay $0x1  }
0x99: {  	s4 =	simm.s32 $_scs_section_size  }
0x9a: {  	s5 =	simm.s32 $_size__tile_overlayer_lowered;
	s6 =	simm.s32 $_tile_overlayer_lowered  }
0x9b: {  	s22 =	simm.s32 $0x1BFF;
	s21 =	sshll.u32 s6, $0x1;
	s3 =	sadd.s32 s4, s19  }
0x9c: {  	s7 =	simm.s32 $0x0;
	s20 =	sshll.u32 s5, $0x1;
	s5 =	sadd.s32 s21, s3  }
0x9d: {  	[timem:s7], [sflag:s22] =	dma.local [hbm:s5], s20  }
0x9e: {  	_ =	swait.ge [sflag:s22], s20  }
0x9f: {  	s4 =	ssub.s32 $0x0, s20;
	[sflag:s22] =	ssyncset.done $0x0  }
0xa0: {  	[sflag:s22] =	ssyncadd.s32 s4;
	_ =	sdelay $0x1  }
0xa1: {  	s23 =	simm.s32 $0x1B8B  }
0xa2: {  	_ =	swait.ge [sflag:s23], $0x1  }
0xa3: {  	[sflag:s23] =	ssyncset.done $0x0  }
0xa4: {  	s25 =	simm.s32 $0x1B8E;
	s24 =	sld [smem:$0x3FFE];
	[sflag:s23] =	ssyncadd.s32 $0xFFFFFFFF  }
0xa5: {  	s26 =	simm.s32 $execute0_lowered;
	[smem:$0x3FD2] =	sst s25  }
0xa6: {  	s5 =	sshll.u32 s26, $0x1;
	_ =	strace $0x80000046;
	[dreg:$0x1] =	wrdreg $0xFFFFFFFF  }
0xa7: {  	s28 =	simm.s32 $_size_execute0_lowered;
	s3 =	sadd.s32 s3, s5;
	[dreg:$0x0] =	wrdreg $0x0  }
0xa8: {  	s5 =	sshll.u32 s28, $0x1;
	[dreg:$0x2] =	wrdreg s3  }
0xa9: {  	[dreg:$0x3] =	wrdreg s5  }
0xaa: {  	[dreg:$0x4] =	wrdreg $0xC0  }
0xab: {  	_ =	task [dreg:s7], $0x5FFFF  }
0xac: {  	[dreg:$0x1] =	wrdreg $0xFFFFFFFF  }
0xad: {  	[dreg:$0x0] =	wrdreg $0x60  }
0xae: {  	[dreg:$0x2] =	wrdreg s2  }
0xaf: {  	[dreg:$0x3] =	wrdreg s24  }
0xb0: {  	[dreg:$0x4] =	wrdreg $0x9  }
0xb1: {  	_ =	task.clear_ibuf [dreg:s7], $0x5FFFF;
	_ =	strace $0x90000046  }
0xb2: {  	s29 =	simm.s32 $0x9;
	_ =	strace $0x80000048  }
0xb3: {  	_ =	swait.ge [sflag:s29], $0x1  }
0xb4: {  	[sflag:s29] =	ssyncadd.s32 $0xFFFFFFFF  }
0xb5: {  	_ =	strace $0x90000048  }
0xb6: {  	_ =	sfence  }
0xb7: {  	s30 =	sld [smem:$0x0];
	_ =	sdelay $0x2  }
0xb8: {  	s31 =	sshll.u32 s1, $0xD;
	s1 =	sshrl.u32 s1, $0x2  }
0xb9: {  	s3 =	sand.u32 $0x4000, s31;
	s1 =	sadd.s32 s1, s30  }
0xba: {  	s0 =	sor.u32 s3, s0;
	s1 =	sshll.u32 s1, $0x11  }
0xbb: {  	s0 =	sor.u32 s1, s0  }
0xbc: {  	s0 =	sadd.s32 $0x8F2B, s0  }
0xbd: {  	[sflag:s0] =	ssyncadd.remote.s32 $0x1  }
0xbe: {  	_ =	sfence.sel $0xFFFF  }
0xbf: {  	[dreg:$0x0] =	wrdreg $0xFFFFFFFF;
	(pc) =	sbr.abs _section_cstart, $3  }
0xc0: {  	[dreg:$0x1] =	wrdreg $0xFFFFFFFF  }
0xc1: {  	_ =	task.clear_ibuf [dreg:s7], $0x2FFFF;
	_ =	strace $0x9FFFFFFF  }
0xc2: {  	(tm) =	ssettm $0x7FFFFFFF  }
0xc3: {  	_ =	shalt  }
tec
execute0_lowered:
.L_overlay_start_1:
0x0: {  	(tag) =	ssettag $0x1  }
0x1: {  	s3 =	rddreg [dreg:$0x0]  }
0x2: {  	s4 =	rddreg [dreg:$0x1]  }
0x3: {  	s0 =	rddreg [dreg:$0x2]  }
0x4: {  	s2 =	simm.s32 $0x0;
	s5 =	srdreg.scid;
	s1 =	stileid.u32  }
0x5: {  	s9 =	simm.s32 $0x8000;
	s10 =	simm.s32 $0x2;
	s11 =	simm.s32 $0x3  }
0x6: {  	[smem:$0x7FF] =	sst s2;
	s5 =	sand.u32 $0x1, s5;
	s6 =	sshll.u32 s1, $0x1  }
0x7: {  	s12 =	simm.s32 $0x0;
	_ =	strace $0x80000047;
	s6 =	sor.u32 s5, s6  }
0x8: {  	s5 =	ssub.s32 $0x2, s5;
	s7 =	sshll.u32 s6, $0xA;
	s6 =	sshll.u32 s6, $0xC  }
0x9: {  	s8 =	sshrl.u32 s5, $0x1;
	s7 =	sadd.s32 s7, s4;
	s3 =	sadd.s32 s3, s6  }
0xa: {  	s8 =	ssub.s32 s5, s8;
	s4 =	sadd.s32 $0x800, s3;
	s5 =	sadd.s32 $0x800, s7  }
0xb: {  	v0 =	vimm.f32 $0.0e+00;
	v1 =	vimm.f32 $1.000000000e+00;
	s6 =	smax.u32 s8, $0x1;
	s7 =	simm.s32 $0x4000;
	s8 =	simm.s32 $0x1  }
.LBB2_1:
0xc: {  	[tilespmem:s2], [sflag:$0x1] =	stream.linear.gather [hbm4b:s3+s2], $0x4000, $0x38;
	[tilespmem:$0xA000] =	vst v63  }
0xd: {  	s13 =	simm.s32 $0x0;
	s14 =	simm.s32 $0x400  }
0xe: {  	[tilespmem:s7], [sflag:$0x2] =	stream.linear.gather [hbm4b:s4+s2], $0x4000, $0x38;
	[tilespmem:$0xA000] =	vst v63  }
.LBB2_2:
0xf: {  	p0 =	sne.s32 s14, $0x7C00;
	[tilespmem:s13+$0x80F0] =	vst v0  }
0x10: {  	[tilespmem:s13+$0x8000] =	vst v0  }
0x11: {  	[tilespmem:s13+$0x8010] =	vst v0  }
0x12: {  	[tilespmem:s13+$0x8020] =	vst v0  }
0x13: {  	[tilespmem:s13+$0x8030] =	vst v0  }
0x14: {  	[tilespmem:s13+$0x8040] =	vst v0  }
0x15: {  	[tilespmem:s13+$0x8050] =	vst v0  }
0x16: {  	[tilespmem:s13+$0x8060] =	vst v0  }
0x17: {  	[tilespmem:s13+$0x8070] =	vst v0  }
0x18: {  	[tilespmem:s13+$0x8080] =	vst v0  }
0x19: {  	[tilespmem:s13+$0x8090] =	vst v0  }
.Ltmp0:
0x1a: {  	[tilespmem:s13+$0x80A0] =	vst v0;
	(pc) =	sbr.rel @p0 .LBB2_2-.Ltmp0, $4  }
0x1b: {  	[tilespmem:s13+$0x80B0] =	vst v0  }
0x1c: {  	[tilespmem:s13+$0x80C0] =	vst v0  }
0x1d: {  	[tilespmem:s13+$0x80D0] =	vst v0  }
0x1e: {  	[tilespmem:s13+$0x80E0] =	vst v0;
	s13 =	sshra.s32 s14, $0x2;
	s14 =	sadd.s32 $0x400, s14  }
0x1f: {  	[tilespmem:s13+$0x80F0] =	vst v0  }
0x20: {  	[tilespmem:s13+$0x8000] =	vst v0  }
0x21: {  	[tilespmem:s13+$0x8010] =	vst v0  }
0x22: {  	[tilespmem:s13+$0x8020] =	vst v0  }
0x23: {  	[tilespmem:s13+$0x8030] =	vst v0  }
0x24: {  	[tilespmem:s13+$0x8040] =	vst v0  }
0x25: {  	[tilespmem:s13+$0x8050] =	vst v0  }
0x26: {  	[tilespmem:s13+$0x8060] =	vst v0  }
0x27: {  	[tilespmem:s13+$0x8070] =	vst v0  }
0x28: {  	[tilespmem:s13+$0x8080] =	vst v0  }
0x29: {  	[tilespmem:s13+$0x8090] =	vst v0  }
0x2a: {  	[tilespmem:s13+$0x80A0] =	vst v0  }
0x2b: {  	[tilespmem:s13+$0x80B0] =	vst v0  }
0x2c: {  	[tilespmem:s13+$0x80C0] =	vst v0  }
0x2d: {  	[tilespmem:s13+$0x80D0] =	vst v0  }
0x2e: {  	[tilespmem:s13+$0x80E0] =	vst v0  }
0x2f: {  	_ =	swait.ge [sflag:s8], $0x4000  }
0x30: {  	[sflag:s8] =	ssyncset.done $0x0  }
0x31: {  	s13 =	simm.s32 $0x80;
	[sflag:s8] =	ssyncadd.s32 $0xFFFFC000  }
0x32: {  	v2 =	vld [tilespmem:s13+$0x70]  }
0x33: {  	v3 =	vld [tilespmem:s13+$0x60]  }
0x34: {  	v4 =	vld [tilespmem:s13+$0x50]  }
0x35: {  	v5 =	vld [tilespmem:s13+$0x40]  }
0x36: {  	v6 =	vld [tilespmem:s13+$0x30]  }
0x37: {  	v7 =	vld [tilespmem:s13+$0x20]  }
0x38: {  	v8 =	vld [tilespmem:s13+$0xFFFFFF80]  }
0x39: {  	v9 =	vld [tilespmem:s13+$0xFFFFFF90]  }
0x3a: {  	v10 =	vld [tilespmem:s13+$0xFFFFFFA0]  }
0x3b: {  	s14 =	simm.s32 $0x0;
	v11 =	vld [tilespmem:s13+$0xFFFFFFB0]  }
0x3c: {  	s14 =	sand.u32 $0x1800, s14;
	v12 =	vld [tilespmem:s13+$0xFFFFFFC0]  }
0x3d: {  	v13 =	vld [tilespmem:s13+$0xFFFFFFD0];
	v8 =	vadd.s32 s14, v8  }
0x3e: {  	v14 =	vld [tilespmem:s13+$0xFFFFFFE0];
	v9 =	vadd.s32 s14, v9  }
0x3f: {  	v15 =	vld [tilespmem:s13+$0xFFFFFFF0];
	v10 =	vadd.s32 s14, v10  }
0x40: {  	v16 =	vld [tilespmem:s13+$0x0];
	v11 =	vadd.s32 s14, v11  }
0x41: {  	v17 =	vld [tilespmem:s13+$0x10];
	v12 =	vadd.s32 s14, v12  }
0x42: {  	v13 =	vadd.s32 s14, v13;
	[tilespmem:v8+s9+$0x0] =	vst.idx.add.f32.msk $0xffff, v1  }
0x43: {  	s15 =	simm.s32 $0x400;
	v60 =	vadd.s32 s14, v14;
	[tilespmem:v9+s9+$0x0] =	vst.idx.add.f32.msk $0xffff, v1  }
0x44: {  	s17 =	simm.s32 $0x480;
	s16 =	sand.u32 $0x1C00, s15;
	v61 =	vadd.s32 s14, v15;
	[tilespmem:v10+s9+$0x0] =	vst.idx.add.f32.msk $0xffff, v1  }
0x45: {  	s19 =	simm.s32 $0x500;
	s18 =	sand.u32 $0x1C00, s17;
	v62 =	vadd.s32 s16, v16;
	[tilespmem:v11+s9+$0x0] =	vst.idx.add.f32.msk $0xffff, v1  }
0x46: {  	s21 =	simm.s32 $0x580;
	s20 =	sand.u32 $0x1C00, s19;
	v63 =	vadd.s32 s18, v17;
	[tilespmem:v12+s9+$0x0] =	vst.idx.add.f32.msk $0xffff, v1  }
0x47: {  	s23 =	simm.s32 $0x600;
	s22 =	sand.u32 $0x1C00, s21;
	v7 =	vadd.s32 s20, v7;
	[tilespmem:v13+s9+$0x0] =	vst.idx.add.f32.msk $0xffff, v1  }
0x48: {  	s25 =	simm.s32 $0x680;
	s24 =	sand.u32 $0x1C00, s23;
	v6 =	vadd.s32 s22, v6;
	[tilespmem:v60+s9+$0x0] =	vst.idx.add.f32.msk $0xffff, v1  }
0x49: {  	s28 =	simm.s32 $0x700;
	s26 =	sand.u32 $0x1C00, s25;
	v5 =	vadd.s32 s24, v5;
	[tilespmem:v61+s9+$0x0] =	vst.idx.add.f32.msk $0xffff, v1  }
0x4a: {  	s29 =	sand.u32 $0x1C00, s28;
	v4 =	vadd.s32 s26, v4;
	[tilespmem:v62+s9+$0x0] =	vst.idx.add.f32.msk $0xffff, v1  }
0x4b: {  	s30 =	simm.s32 $0x780;
	v3 =	vadd.s32 s29, v3;
	[tilespmem:v63+s9+$0x0] =	vst.idx.add.f32.msk $0xffff, v1  }
0x4c: {  	s31 =	sand.u32 $0x1C00, s30;
	[tilespmem:v7+s9+$0x0] =	vst.idx.add.f32.msk $0xffff, v1  }
0x4d: {  	v2 =	vadd.s32 s31, v2;
	[tilespmem:v6+s9+$0x0] =	vst.idx.add.f32.msk $0xffff, v1  }
0x4e: {  	[tilespmem:v5+s9+$0x0] =	vst.idx.add.f32.msk $0xffff, v1  }
0x4f: {  	[tilespmem:v4+s9+$0x0] =	vst.idx.add.f32.msk $0xffff, v1  }
0x50: {  	s14 =	simm.s32 $0x800;
	[tilespmem:v3+s9+$0x0] =	vst.idx.add.f32.msk $0xffff, v1  }
.LBB2_4:
0x51: {  	p0 =	sne.s32 s14, $0x1F800  }
0x52: {  	[tilespmem:v2+s9+$0x0] =	vst.idx.add.f32.msk $0xffff, v1;
	s13 =	sadd.s32 $0x100, s13;
	s15 =	smov.u32 s14;
	s14 =	sadd.s32 $0x800, s14  }
0x53: {  	v2 =	vld [tilespmem:s13+$0x70]  }
0x54: {  	v3 =	vld [tilespmem:s13+$0x60]  }
0x55: {  	v4 =	vld [tilespmem:s13+$0x50]  }
0x56: {  	v5 =	vld [tilespmem:s13+$0x40]  }
0x57: {  	v6 =	vld [tilespmem:s13+$0x30]  }
0x58: {  	v7 =	vld [tilespmem:s13+$0x20]  }
0x59: {  	v8 =	vld [tilespmem:s13+$0xFFFFFF80]  }
0x5a: {  	v9 =	vld [tilespmem:s13+$0xFFFFFF90]  }
0x5b: {  	v10 =	vld [tilespmem:s13+$0xFFFFFFA0]  }
0x5c: {  	v11 =	vld [tilespmem:s13+$0xFFFFFFB0]  }
0x5d: {  	s16 =	sand.u32 $0x1800, s15;
	v12 =	vld [tilespmem:s13+$0xFFFFFFC0]  }
0x5e: {  	v13 =	vld [tilespmem:s13+$0xFFFFFFD0];
	v8 =	vadd.s32 s16, v8  }
0x5f: {  	v14 =	vld [tilespmem:s13+$0xFFFFFFE0];
	v9 =	vadd.s32 s16, v9  }
0x60: {  	v15 =	vld [tilespmem:s13+$0xFFFFFFF0];
	v10 =	vadd.s32 s16, v10  }
0x61: {  	v16 =	vld [tilespmem:s13+$0x0];
	v11 =	vadd.s32 s16, v11  }
0x62: {  	v17 =	vld [tilespmem:s13+$0x10];
	v12 =	vadd.s32 s16, v12  }
0x63: {  	v13 =	vadd.s32 s16, v13;
	[tilespmem:v8+s9+$0x0] =	vst.idx.add.f32.msk $0xffff, v1  }
0x64: {  	s17 =	sadd.s32 $0x400, s15;
	v8 =	vadd.s32 s16, v14;
	[tilespmem:v9+s9+$0x0] =	vst.idx.add.f32.msk $0xffff, v1  }
0x65: {  	v9 =	vadd.s32 s16, v15;
	s16 =	sand.u32 $0x1C00, s17;
	s17 =	sadd.s32 $0x480, s15;
	[tilespmem:v10+s9+$0x0] =	vst.idx.add.f32.msk $0xffff, v1  }
0x66: {  	v10 =	vadd.s32 s16, v16;
	s16 =	sand.u32 $0x1C00, s17;
	s17 =	sadd.s32 $0x500, s15;
	[tilespmem:v11+s9+$0x0] =	vst.idx.add.f32.msk $0xffff, v1  }
0x67: {  	v11 =	vadd.s32 s16, v17;
	s16 =	sand.u32 $0x1C00, s17;
	s17 =	sadd.s32 $0x580, s15;
	[tilespmem:v12+s9+$0x0] =	vst.idx.add.f32.msk $0xffff, v1  }
0x68: {  	v7 =	vadd.s32 s16, v7;
	s16 =	sand.u32 $0x1C00, s17;
	s17 =	sadd.s32 $0x600, s15;
	[tilespmem:v13+s9+$0x0] =	vst.idx.add.f32.msk $0xffff, v1  }
0x69: {  	v6 =	vadd.s32 s16, v6;
	s16 =	sand.u32 $0x1C00, s17;
	s17 =	sadd.s32 $0x680, s15;
	[tilespmem:v8+s9+$0x0] =	vst.idx.add.f32.msk $0xffff, v1  }
0x6a: {  	v5 =	vadd.s32 s16, v5;
	s16 =	sand.u32 $0x1C00, s17;
	s17 =	sadd.s32 $0x700, s15;
	[tilespmem:v9+s9+$0x0] =	vst.idx.add.f32.msk $0xffff, v1  }
0x6b: {  	s15 =	sadd.s32 $0x780, s15;
	v4 =	vadd.s32 s16, v4;
	s16 =	sand.u32 $0x1C00, s17;
	[tilespmem:v10+s9+$0x0] =	vst.idx.add.f32.msk $0xffff, v1  }
0x6c: {  	s15 =	sand.u32 $0x1C00, s15;
	v3 =	vadd.s32 s16, v3;
	[tilespmem:v11+s9+$0x0] =	vst.idx.add.f32.msk $0xffff, v1  }
.Ltmp1:
0x6d: {  	v2 =	vadd.s32 s15, v2;
	[tilespmem:v7+s9+$0x0] =	vst.idx.add.f32.msk $0xffff, v1;
	(pc) =	sbr.rel @p0 .LBB2_4-.Ltmp1, $4  }
0x6e: {  	[tilespmem:v6+s9+$0x0] =	vst.idx.add.f32.msk $0xffff, v1  }
0x6f: {  	[tilespmem:v5+s9+$0x0] =	vst.idx.add.f32.msk $0xffff, v1  }
0x70: {  	[tilespmem:v4+s9+$0x0] =	vst.idx.add.f32.msk $0xffff, v1  }
0x71: {  	[tilespmem:v3+s9+$0x0] =	vst.idx.add.f32.msk $0xffff, v1  }
0x72: {  	_ =	sdelay $0x3  }
0x73: {  	[tilespmem:v2+s9+$0x0] =	vst.idx.add.f32.msk $0xffff, v1  }
0x74: {  	_ =	swait.ge [sflag:s10], $0x4000  }
0x75: {  	[sflag:s10] =	ssyncset.done $0x0  }
0x76: {  	s14 =	simm.s32 $0x0;
	[sflag:s10] =	ssyncadd.s32 $0xFFFFC000  }
0x77: {  	v2 =	vld [tilespmem:s14+$0x4060]  }
0x78: {  	v3 =	vld [tilespmem:s14+$0x4050]  }
0x79: {  	v4 =	vld [tilespmem:s14+$0x4040]  }
0x7a: {  	v5 =	vld [tilespmem:s14+$0x4030]  }
0x7b: {  	v6 =	vld [tilespmem:s14+$0x4020]  }
0x7c: {  	v7 =	vld [tilespmem:s14+$0x4010]  }
0x7d: {  	v8 =	vld [tilespmem:s14+$0x4000]  }
0x7e: {  	v9 =	vld [tilespmem:s14+$0x4070]  }
0x7f: {  	v10 =	vld [tilespmem:s14+$0x4080]  }
0x80: {  	s13 =	simm.s32 $0x20000;
	v11 =	vld [tilespmem:s14+$0x4090]  }
0x81: {  	s15 =	sand.u32 $0x1800, s13;
	v12 =	vld [tilespmem:s14+$0x40A0]  }
0x82: {  	v13 =	vld [tilespmem:s14+$0x40B0];
	v8 =	vadd.s32 s15, v8  }
0x83: {  	v14 =	vld [tilespmem:s14+$0x40C0];
	v7 =	vadd.s32 s15, v7  }
0x84: {  	v15 =	vld [tilespmem:s14+$0x40D0];
	v6 =	vadd.s32 s15, v6  }
0x85: {  	v16 =	vld [tilespmem:s14+$0x40E0];
	v5 =	vadd.s32 s15, v5  }
0x86: {  	v17 =	vld [tilespmem:s14+$0x40F0];
	v4 =	vadd.s32 s15, v4  }
0x87: {  	v3 =	vadd.s32 s15, v3;
	[tilespmem:v8+s9+$0x0] =	vst.idx.add.f32.msk $0xffff, v1  }
0x88: {  	s17 =	simm.s32 $0x20400;
	v2 =	vadd.s32 s15, v2;
	[tilespmem:v7+s9+$0x0] =	vst.idx.add.f32.msk $0xffff, v1  }
0x89: {  	s18 =	simm.s32 $0x20480;
	s14 =	sand.u32 $0x1C00, s17;
	v58 =	vadd.s32 s15, v9;
	[tilespmem:v6+s9+$0x0] =	vst.idx.add.f32.msk $0xffff, v1  }
0x8a: {  	s20 =	simm.s32 $0x20500;
	s19 =	sand.u32 $0x1C00, s18;
	v59 =	vadd.s32 s14, v10;
	[tilespmem:v5+s9+$0x0] =	vst.idx.add.f32.msk $0xffff, v1  }
0x8b: {  	s22 =	simm.s32 $0x20580;
	s21 =	sand.u32 $0x1C00, s20;
	v60 =	vadd.s32 s19, v11;
	[tilespmem:v4+s9+$0x0] =	vst.idx.add.f32.msk $0xffff, v1  }
0x8c: {  	s24 =	simm.s32 $0x20600;
	s23 =	sand.u32 $0x1C00, s22;
	v61 =	vadd.s32 s21, v12;
	[tilespmem:v3+s9+$0x0] =	vst.idx.add.f32.msk $0xffff, v1  }
0x8d: {  	s25 =	sand.u32 $0x1C00, s24;
	v3 =	vadd.s32 s23, v13;
	[tilespmem:v2+s9+$0x0] =	vst.idx.add.f32.msk $0xffff, v1  }
0x8e: {  	s26 =	simm.s32 $0x20680;
	v2 =	vadd.s32 s25, v14;
	[tilespmem:v58+s9+$0x0] =	vst.idx.add.f32.msk $0xffff, v1  }
0x8f: {  	s29 =	simm.s32 $0x20700;
	s28 =	sand.u32 $0x1C00, s26;
	[tilespmem:v59+s9+$0x0] =	vst.idx.add.f32.msk $0xffff, v1  }
0x90: {  	s30 =	sand.u32 $0x1C00, s29;
	v62 =	vadd.s32 s28, v15;
	[tilespmem:v60+s9+$0x0] =	vst.idx.add.f32.msk $0xffff, v1  }
0x91: {  	s31 =	simm.s32 $0x20780;
	v63 =	vadd.s32 s30, v16;
	[tilespmem:v61+s9+$0x0] =	vst.idx.add.f32.msk $0xffff, v1  }
0x92: {  	s14 =	sand.u32 $0x1C00, s31;
	[tilespmem:v3+s9+$0x0] =	vst.idx.add.f32.msk $0xffff, v1  }
0x93: {  	[tilespmem:v2+s9+$0x0] =	vst.idx.add.f32.msk $0xffff, v1;
	v2 =	vadd.s32 s14, v17;
	_ =	sdelay $0x1  }
0x94: {  	[tilespmem:v62+s9+$0x0] =	vst.idx.add.f32.msk $0xffff, v1  }
0x95: {  	s15 =	simm.s32 $0x400;
	[tilespmem:v63+s9+$0x0] =	vst.idx.add.f32.msk $0xffff, v1  }
.LBB2_6:
0x96: {  	s14 =	smov.u32 s15  }
0x97: {  	s16 =	sshra.s32 s15, $0x2;
	[tilespmem:v2+s9+$0x0] =	vst.idx.add.f32.msk $0xffff, v1;
	s13 =	sadd.s32 $0x800, s13;
	s14 =	sadd.s32 $0x400, s15  }
0x98: {  	p0 =	sne.s32 s15, $0xFC00;
	v2 =	vld [tilespmem:s16+$0x4060]  }
0x99: {  	v3 =	vld [tilespmem:s16+$0x4050]  }
0x9a: {  	v4 =	vld [tilespmem:s16+$0x4040]  }
0x9b: {  	v5 =	vld [tilespmem:s16+$0x4030]  }
0x9c: {  	v6 =	vld [tilespmem:s16+$0x4020]  }
0x9d: {  	v7 =	vld [tilespmem:s16+$0x4010]  }
0x9e: {  	v8 =	vld [tilespmem:s16+$0x4000]  }
0x9f: {  	s15 =	sand.u32 $0x1800, s13;
	v9 =	vld [tilespmem:s16+$0x4070]  }
0xa0: {  	v10 =	vld [tilespmem:s16+$0x4080];
	v5 =	vadd.s32 s15, v5  }
0xa1: {  	v4 =	vadd.s32 s15, v4;
	v11 =	vld [tilespmem:s16+$0x4090]  }
0xa2: {  	v3 =	vadd.s32 s15, v3;
	v12 =	vld [tilespmem:s16+$0x40A0]  }
0xa3: {  	s17 =	sadd.s32 $0x400, s13;
	v2 =	vadd.s32 s15, v2;
	v7 =	vadd.s32 s15, v7;
	v13 =	vld [tilespmem:s16+$0x40B0];
	v8 =	vadd.s32 s15, v8  }
0xa4: {  	v6 =	vadd.s32 s15, v6;
	v14 =	vld [tilespmem:s16+$0x40C0];
	v9 =	vadd.s32 s15, v9;
	s15 =	sand.u32 $0x1C00, s17;
	s17 =	sadd.s32 $0x480, s13  }
0xa5: {  	v15 =	vld [tilespmem:s16+$0x40D0];
	v10 =	vadd.s32 s15, v10;
	s15 =	sand.u32 $0x1C00, s17  }
0xa6: {  	v16 =	vld [tilespmem:s16+$0x40E0];
	v11 =	vadd.s32 s15, v11  }
0xa7: {  	v17 =	vld [tilespmem:s16+$0x40F0]  }
0xa8: {  	s15 =	sadd.s32 $0x500, s13;
	[tilespmem:v8+s9+$0x0] =	vst.idx.add.f32.msk $0xffff, v1  }
0xa9: {  	s15 =	sand.u32 $0x1C00, s15;
	s16 =	sadd.s32 $0x580, s13;
	[tilespmem:v7+s9+$0x0] =	vst.idx.add.f32.msk $0xffff, v1  }
0xaa: {  	v7 =	vadd.s32 s15, v12;
	s15 =	sand.u32 $0x1C00, s16;
	[tilespmem:v6+s9+$0x0] =	vst.idx.add.f32.msk $0xffff, v1  }
0xab: {  	v6 =	vadd.s32 s15, v13;
	s15 =	sadd.s32 $0x600, s13;
	[tilespmem:v5+s9+$0x0] =	vst.idx.add.f32.msk $0xffff, v1  }
0xac: {  	s15 =	sand.u32 $0x1C00, s15;
	[tilespmem:v4+s9+$0x0] =	vst.idx.add.f32.msk $0xffff, v1  }
0xad: {  	v4 =	vadd.s32 s15, v14;
	s15 =	sadd.s32 $0x680, s13;
	[tilespmem:v3+s9+$0x0] =	vst.idx.add.f32.msk $0xffff, v1  }
0xae: {  	s15 =	sand.u32 $0x1C00, s15;
	[tilespmem:v2+s9+$0x0] =	vst.idx.add.f32.msk $0xffff, v1  }
0xaf: {  	v3 =	vadd.s32 s15, v15;
	s15 =	sadd.s32 $0x700, s13;
	[tilespmem:v9+s9+$0x0] =	vst.idx.add.f32.msk $0xffff, v1  }
0xb0: {  	s16 =	sadd.s32 $0x780, s13;
	s15 =	sand.u32 $0x1C00, s15;
	[tilespmem:v10+s9+$0x0] =	vst.idx.add.f32.msk $0xffff, v1  }
0xb1: {  	v5 =	vadd.s32 s15, v16;
	s15 =	sand.u32 $0x1C00, s16;
	[tilespmem:v11+s9+$0x0] =	vst.idx.add.f32.msk $0xffff, v1  }
.Ltmp2:
0xb2: {  	v2 =	vadd.s32 s15, v17;
	[tilespmem:v7+s9+$0x0] =	vst.idx.add.f32.msk $0xffff, v1;
	(pc) =	sbr.rel @p0 .LBB2_6-.Ltmp2, $4  }
0xb3: {  	[tilespmem:v6+s9+$0x0] =	vst.idx.add.f32.msk $0xffff, v1  }
0xb4: {  	[tilespmem:v4+s9+$0x0] =	vst.idx.add.f32.msk $0xffff, v1  }
0xb5: {  	[tilespmem:v3+s9+$0x0] =	vst.idx.add.f32.msk $0xffff, v1  }
0xb6: {  	s15 =	smov.u32 s14;
	[tilespmem:v5+s9+$0x0] =	vst.idx.add.f32.msk $0xffff, v1  }
0xb7: {  	_ =	sdelay $0x1  }
0xb8: {  	s12 =	sadd.s32 $0x1, s12  }
0xb9: {  	p0 =	sne.s32 s12, s6  }
.Ltmp3:
0xba: {  	[tilespmem:v2+s9+$0x0] =	vst.idx.add.f32.msk $0xffff, v1;
	(pc) =	sbr.rel @p0 .LBB2_1-.Ltmp3, $4  }
0xbb: {  	[hbm4b:s5+s2] =	stream.linear.scatter [tilespmem:s9], [sflag:$0x3], $0x2000, $0x38;
	[tilespmem:$0xA000] =	vst v63  }
0xbc: {  	_ =	swait.ge [sflag:s11], $0x2000  }
0xbd: {  	[sflag:s11] =	ssyncset.done $0x0  }
0xbe: {  	[sflag:s11] =	ssyncadd.s32 $0xFFFFE000  }
0xbf: {  	_ =	sfence.sel $0x180000  }
0xc0: {  	[bflag:$0x0] =	sbarrier.arrive $0xFFFF  }
0xc1: {  	p0 =	sne.s32 s1, $0x0;
	_ =	strace $0x90000047  }
0xc2: {  	s0 =	sadd.s32 @!p0 $0x100000, s0;
	[bflag:$0x2] =	sbarrier.arrive $0xFFFF  }
0xc3: {  	[sflag:s0] =	ssyncadd.tile.s32 @!p0 $0x1;
	_ =	shalt  }
.Lfunc_end2:
_tile_overlayer_lowered:
.L_overlay_start_2:
0xc4: {  	(tag) =	ssettag $0x2  }
0xc5: {  	s0 =	rddreg [dreg:$0x0];
	s2 =	stileid.u32  }
0xc6: {  	s1 =	rddreg [dreg:$0x1];
	p0 =	sne.s32 s2, $0x0  }
0xc7: {  	s3 =	rddreg [dreg:$0x2];
	[bflag:$0x3] =	sbarrier.arrive $0xFFFF;
	s2 =	simm.s32 @!p0 $0x1C03  }
0xc8: {  	[timem:s3], [sflag:s2] =	dma.local @!p0 [hbm:s0], s1  }
0xc9: {  	s0 =	simm.s32 @!p0 $0x3  }
0xca: {  	_ =	swait.ge @!p0 [sflag:s0], s1  }
0xcb: {  	s1 =	ssub.s32 @!p0 $0x0, s1;
	[sflag:s0] =	ssyncset.done @!p0 $0x0  }
0xcc: {  	[sflag:s0] =	ssyncadd.s32 @!p0 s1  }
0xcd: {  	[bflag:$0x3] =	sbarrier.arrive $0xFFFF  }
0xce: {  	_ =	shalt  }

</sc_bundles>
